<compile_context>
chip_gen: v7x
topology: tpu7x:2x2x1
jax: 0.10.2.dev20260603
libtpu: 0.0.44.dev20260713+nightly
codegen_flags: <defaults>
</compile_context>

<pallas_src>
import jax
import jax.numpy as jnp
from jax import lax
from jax.experimental import pallas as pl
from jax.experimental.pallas import tpu as pltpu, tpu_sc as plsc

MAXB, NH, MAXS, HD = 8, 16, 4096, 128
L = 16
NPAIR = MAXB * NH
NSUB = 16
PAIRS_PER_W = NPAIR // NSUB
ROWS_PER_W = PAIRS_PER_W * L

_mesh = plsc.VectorSubcoreMesh(core_axis_name="c", subcore_axis_name="s")


def _sc_body(pos_hbm, kval_hbm, vval_hbm, kcache_hbm, vcache_hbm,
             ko_hbm, vo_hbm, cbuf, vbuf, posv, idxv, sem, psem):
    c = lax.axis_index("c")
    s = lax.axis_index("s")
    base_pair = s * PAIRS_PER_W
    base_row = s * ROWS_PER_W

    pcp = pltpu.async_copy(pos_hbm, posv, psem)

    def run(val_hbm, cache_hbm, out_hbm):
        rv = pltpu.async_copy(val_hbm.at[pl.ds(base_row, ROWS_PER_W)], vbuf, sem)

        pcp.wait()
        pos_reg = posv[...]
        for i in range(PAIRS_PER_W):
            idxv[pl.ds(i * L, L)] = pos_reg + (base_pair + i) * L

        lane = lax.iota(jnp.int32, L)
        eq = jnp.where(pos_reg == lane, 1, 0)
        for stp in (8, 4, 2, 1):
            eq = eq & jnp.take(eq, (lane + stp) & (L - 1))
        covered = eq[0] == 1

        @pl.when(jnp.logical_not(covered))
        def _base():
            reads = [pltpu.async_copy(cache_hbm.at[base_pair + i, pl.ds(0, L)],
                                      cbuf.at[pl.ds(i * L, L)], sem)
                     for i in range(PAIRS_PER_W)]
            for r in reads:
                r.wait()
            pltpu.async_copy(cbuf, out_hbm.at[pl.ds(base_row, ROWS_PER_W)],
                             sem).wait()

        rv.wait()
        pltpu.async_copy(vbuf, out_hbm.at[idxv], sem).wait()

    @pl.when(c == 0)
    def _k():
        run(kval_hbm, kcache_hbm, ko_hbm)

    @pl.when(c == 1)
    def _v():
        run(vval_hbm, vcache_hbm, vo_hbm)


_row = jax.ShapeDtypeStruct((NPAIR * L, HD), jnp.float32)

_scatter = pl.kernel(
    _sc_body,
    out_type=(_row, _row),
    mesh=_mesh,
    scratch_types=[
        pltpu.VMEM((ROWS_PER_W, HD), jnp.float32),
        pltpu.VMEM((ROWS_PER_W, HD), jnp.float32),
        pltpu.VMEM((L,), jnp.int32),
        pltpu.VMEM((ROWS_PER_W,), jnp.int32),
        pltpu.SemaphoreType.DMA,
        pltpu.SemaphoreType.DMA,
    ],
)


def kernel(input_pos, k_val, v_val, k_cache, v_cache):
    pos = input_pos.astype(jnp.int32)
    kv = k_val.reshape(NPAIR * L, HD)
    vv = v_val.reshape(NPAIR * L, HD)
    kc = k_cache.reshape(NPAIR, MAXS, HD)
    vc = v_cache.reshape(NPAIR, MAXS, HD)
    ko, vo = _scatter(pos, kv, vv, kc, vc)
    return (ko.reshape(MAXB, NH, L, HD), vo.reshape(MAXB, NH, L, HD))

# --- scband reference (transcript-rebuilt; emitter-appended) ---
"""Pipeline reference for scband-kvcache-3994319585521 (READ-ONLY COPY).

The authoritative reference and input builder live on the scoring server;
editing this copy changes nothing except your own understanding.
"""

import jax, jax.numpy as jnp
import numpy as np

MAX_B, MAX_S, N_HEAD, HEAD_DIM = 8, 4096, 16, 128
Q_LEN = 16

def setup_inputs(seed: int = 0) -> dict:
    key = jax.random.key(seed)
    k1, k2 = jax.random.split(key)
    input_pos = jnp.arange(Q_LEN, dtype=jnp.int64) if jax.config.jax_enable_x64 else jnp.arange(Q_LEN, dtype=jnp.int32)
    k_val = jax.random.normal(k1, (MAX_B, N_HEAD, Q_LEN, HEAD_DIM), dtype=jnp.float32)
    v_val = jax.random.normal(k2, (MAX_B, N_HEAD, Q_LEN, HEAD_DIM), dtype=jnp.float32)
    k_cache = jnp.zeros((MAX_B, N_HEAD, MAX_S, HEAD_DIM), dtype=jnp.float32)
    v_cache = jnp.zeros((MAX_B, N_HEAD, MAX_S, HEAD_DIM), dtype=jnp.float32)
    return {"input_pos": input_pos, "k_val": k_val, "v_val": v_val, "k_cache": k_cache, "v_cache": v_cache}

def reference(input_pos, k_val, v_val, k_cache, v_cache):
    # scatter-overwrite along the sequence axis of the KV cache
    k_cache = k_cache.at[:, :, input_pos, :].set(k_val)
    v_cache = v_cache.at[:, :, input_pos, :].set(v_val)
    L = input_pos.shape[0]
    return (k_cache[:, :, :L, :], v_cache[:, :, :L, :])

if __name__ == "__main__":
    import jax
    _d = setup_inputs()
    print(jax.jit(kernel)(*tuple(_d.values())))

</pallas_src>

<mosaic_0001>
#map = affine_map<(d0, d1) -> (0)>
#map1 = affine_map<(d0, d1) -> (0, 0)>
#map2 = affine_map<(d0, d1) -> (0, 0, 0)>
module attributes {stable_mosaic.version = 14 : i64} {
  func.func @_sc_body(%arg0: i32, %arg1: i32, %arg2: memref<16xi32, #tpu.memory_space<hbm>>, %arg3: memref<2048x128xf32, #tpu.memory_space<hbm>>, %arg4: memref<2048x128xf32, #tpu.memory_space<hbm>>, %arg5: memref<128x4096x128xf32, #tpu.memory_space<hbm>>, %arg6: memref<128x4096x128xf32, #tpu.memory_space<hbm>>, %arg7: memref<2048x128xf32, #tpu.memory_space<hbm>>, %arg8: memref<2048x128xf32, #tpu.memory_space<hbm>>, %arg9: memref<128x128xf32, #tpu.memory_space<vmem>>, %arg10: memref<128x128xf32, #tpu.memory_space<vmem>>, %arg11: memref<16xi32, #tpu.memory_space<vmem>>, %arg12: memref<128xi32, #tpu.memory_space<vmem>>, %arg13: memref<!tpu.dma_semaphore, #tpu.memory_space<semaphore_mem>>, %arg14: memref<!tpu.dma_semaphore, #tpu.memory_space<semaphore_mem>>) attributes {dimension_semantics = [#tpu.dimension_semantics<core_parallel>, #tpu.dimension_semantics<subcore_parallel>], iteration_bounds = array<i64: 2, 16>, scalar_prefetch = 0 : i64, scratch_operands = 6 : i64, tpu.core_type = #tpu.core_type<sc_vector_subcore>, window_params = [{transform_indices = #map}, {transform_indices = #map1}, {transform_indices = #map1}, {transform_indices = #map2}, {transform_indices = #map2}, {transform_indices = #map1}, {transform_indices = #map1}]} {
    %mul3A = arith.constant 8 : i32
    %mul3A_0 = arith.muli %arg1, %mul3A : i32
    %mul3A_1 = arith.constant 128 : i32
    %mul3A_2 = arith.muli %arg1, %mul3A_1 : i32
    tpu.enqueue_dma source(%arg2 : memref<16xi32, #tpu.memory_space<hbm>>) target(%arg11 : memref<16xi32, #tpu.memory_space<vmem>>) target_semaphore(%arg14 : memref<!tpu.dma_semaphore, #tpu.memory_space<semaphore_mem>>)
    %eq3A = arith.constant 0 : i32
    %eq3A_3 = arith.cmpi eq, %arg0, %eq3A : i32
    %convert_element_type3A = arith.extui %eq3A_3 : i1 to i32
    %cond3A = arith.constant 0 : i32
    %cond3A_4 = arith.cmpi ne, %convert_element_type3A, %cond3A : i32
    scf.if %cond3A_4 {
      %dma_start3A = arith.constant 0 : i32
      %dma_start3A_10 = tpu.memref_slice %arg3[%mul3A_2, %dma_start3A] : memref<2048x128xf32, #tpu.memory_space<hbm>> -> memref<128x128xf32, #tpu.memory_space<hbm>>
      %dma_start3A_11 = arith.constant 0 : i32
      %dma_start3A_12 = tpu.memref_slice %arg3[%mul3A_2, %dma_start3A_11] : memref<2048x128xf32, #tpu.memory_space<hbm>> -> memref<128x128xf32, #tpu.memory_space<hbm>>
      tpu.enqueue_dma source(%dma_start3A_12 : memref<128x128xf32, #tpu.memory_space<hbm>>) target(%arg10 : memref<128x128xf32, #tpu.memory_space<vmem>>) target_semaphore(%arg13 : memref<!tpu.dma_semaphore, #tpu.memory_space<semaphore_mem>>)
      tpu.wait_dma2 semaphore(%arg14 : memref<!tpu.dma_semaphore, #tpu.memory_space<semaphore_mem>>) src(%arg2 : memref<16xi32, #tpu.memory_space<hbm>>) dst(%arg11 : memref<16xi32, #tpu.memory_space<vmem>>)
      %get3A = arith.constant 0 : index
      %get3A_13 = tpu.vector_load %arg11[%get3A] {strides = array<i32>} : memref<16xi32, #tpu.memory_space<vmem>>, vector<16xi32>,
      %get3A_14 = vector.shape_cast %get3A_13 : vector<16xi32> to vector<16xi32>
      %add3A = arith.constant 0 : i32
      %add3A_15 = arith.addi %mul3A_0, %add3A : i32
      %mul3A_16 = arith.constant 16 : i32
      %mul3A_17 = arith.muli %add3A_15, %mul3A_16 : i32
      %add3A_18 = vector.broadcast %mul3A_17 : i32 to vector<16xi32>
      %add3A_19 = arith.addi %get3A_14, %add3A_18 : vector<16xi32>
      %swap3A = arith.constant 0 : index
      %swap3A_20 = tpu.vector_load %arg12[%swap3A] {strides = array<i32>} : memref<128xi32, #tpu.memory_space<vmem>>, vector<16xi32>,
      %swap3A_21 = vector.shape_cast %swap3A_20 : vector<16xi32> to vector<16xi32>
      %swap3A_22 = vector.shape_cast %add3A_19 : vector<16xi32> to vector<16xi32>
      tpu.vector_store %arg12[%swap3A], %swap3A_22 {strides = array<i32>} : memref<128xi32, #tpu.memory_space<vmem>>, vector<16xi32>,
      %add3A_23 = arith.constant 1 : i32
      %add3A_24 = arith.addi %mul3A_0, %add3A_23 : i32
      %mul3A_25 = arith.constant 16 : i32
      %mul3A_26 = arith.muli %add3A_24, %mul3A_25 : i32
      %add3A_27 = vector.broadcast %mul3A_26 : i32 to vector<16xi32>
      %add3A_28 = arith.addi %get3A_14, %add3A_27 : vector<16xi32>
      %swap3A_29 = arith.constant 16 : index
      %swap3A_30 = tpu.vector_load %arg12[%swap3A_29] {strides = array<i32>} : memref<128xi32, #tpu.memory_space<vmem>>, vector<16xi32>,
      %swap3A_31 = vector.shape_cast %swap3A_30 : vector<16xi32> to vector<16xi32>
      %swap3A_32 = vector.shape_cast %add3A_28 : vector<16xi32> to vector<16xi32>
      tpu.vector_store %arg12[%swap3A_29], %swap3A_32 {strides = array<i32>} : memref<128xi32, #tpu.memory_space<vmem>>, vector<16xi32>,
      %add3A_33 = arith.constant 2 : i32
      %add3A_34 = arith.addi %mul3A_0, %add3A_33 : i32
      %mul3A_35 = arith.constant 16 : i32
      %mul3A_36 = arith.muli %add3A_34, %mul3A_35 : i32
      %add3A_37 = vector.broadcast %mul3A_36 : i32 to vector<16xi32>
      %add3A_38 = arith.addi %get3A_14, %add3A_37 : vector<16xi32>
      %swap3A_39 = arith.constant 32 : index
      %swap3A_40 = tpu.vector_load %arg12[%swap3A_39] {strides = array<i32>} : memref<128xi32, #tpu.memory_space<vmem>>, vector<16xi32>,
      %swap3A_41 = vector.shape_cast %swap3A_40 : vector<16xi32> to vector<16xi32>
      %swap3A_42 = vector.shape_cast %add3A_38 : vector<16xi32> to vector<16xi32>
      tpu.vector_store %arg12[%swap3A_39], %swap3A_42 {strides = array<i32>} : memref<128xi32, #tpu.memory_space<vmem>>, vector<16xi32>,
      %add3A_43 = arith.constant 3 : i32
      %add3A_44 = arith.addi %mul3A_0, %add3A_43 : i32
      %mul3A_45 = arith.constant 16 : i32
      %mul3A_46 = arith.muli %add3A_44, %mul3A_45 : i32
      %add3A_47 = vector.broadcast %mul3A_46 : i32 to vector<16xi32>
      %add3A_48 = arith.addi %get3A_14, %add3A_47 : vector<16xi32>
      %swap3A_49 = arith.constant 48 : index
      %swap3A_50 = tpu.vector_load %arg12[%swap3A_49] {strides = array<i32>} : memref<128xi32, #tpu.memory_space<vmem>>, vector<16xi32>,
      %swap3A_51 = vector.shape_cast %swap3A_50 : vector<16xi32> to vector<16xi32>
      %swap3A_52 = vector.shape_cast %add3A_48 : vector<16xi32> to vector<16xi32>
      tpu.vector_store %arg12[%swap3A_49], %swap3A_52 {strides = array<i32>} : memref<128xi32, #tpu.memory_space<vmem>>, vector<16xi32>,
      %add3A_53 = arith.constant 4 : i32
      %add3A_54 = arith.addi %mul3A_0, %add3A_53 : i32
      %mul3A_55 = arith.constant 16 : i32
      %mul3A_56 = arith.muli %add3A_54, %mul3A_55 : i32
      %add3A_57 = vector.broadcast %mul3A_56 : i32 to vector<16xi32>
      %add3A_58 = arith.addi %get3A_14, %add3A_57 : vector<16xi32>
      %swap3A_59 = arith.constant 64 : index
      %swap3A_60 = tpu.vector_load %arg12[%swap3A_59] {strides = array<i32>} : memref<128xi32, #tpu.memory_space<vmem>>, vector<16xi32>,
      %swap3A_61 = vector.shape_cast %swap3A_60 : vector<16xi32> to vector<16xi32>
      %swap3A_62 = vector.shape_cast %add3A_58 : vector<16xi32> to vector<16xi32>
      tpu.vector_store %arg12[%swap3A_59], %swap3A_62 {strides = array<i32>} : memref<128xi32, #tpu.memory_space<vmem>>, vector<16xi32>,
      %add3A_63 = arith.constant 5 : i32
      %add3A_64 = arith.addi %mul3A_0, %add3A_63 : i32
      %mul3A_65 = arith.constant 16 : i32
      %mul3A_66 = arith.muli %add3A_64, %mul3A_65 : i32
      %add3A_67 = vector.broadcast %mul3A_66 : i32 to vector<16xi32>
      %add3A_68 = arith.addi %get3A_14, %add3A_67 : vector<16xi32>
      %swap3A_69 = arith.constant 80 : index
      %swap3A_70 = tpu.vector_load %arg12[%swap3A_69] {strides = array<i32>} : memref<128xi32, #tpu.memory_space<vmem>>, vector<16xi32>,
      %swap3A_71 = vector.shape_cast %swap3A_70 : vector<16xi32> to vector<16xi32>
      %swap3A_72 = vector.shape_cast %add3A_68 : vector<16xi32> to vector<16xi32>
      tpu.vector_store %arg12[%swap3A_69], %swap3A_72 {strides = array<i32>} : memref<128xi32, #tpu.memory_space<vmem>>, vector<16xi32>,
      %add3A_73 = arith.constant 6 : i32
      %add3A_74 = arith.addi %mul3A_0, %add3A_73 : i32
      %mul3A_75 = arith.constant 16 : i32
      %mul3A_76 = arith.muli %add3A_74, %mul3A_75 : i32
      %add3A_77 = vector.broadcast %mul3A_76 : i32 to vector<16xi32>
      %add3A_78 = arith.addi %get3A_14, %add3A_77 : vector<16xi32>
      %swap3A_79 = arith.constant 96 : index
      %swap3A_80 = tpu.vector_load %arg12[%swap3A_79] {strides = array<i32>} : memref<128xi32, #tpu.memory_space<vmem>>, vector<16xi32>,
      %swap3A_81 = vector.shape_cast %swap3A_80 : vector<16xi32> to vector<16xi32>
      %swap3A_82 = vector.shape_cast %add3A_78 : vector<16xi32> to vector<16xi32>
      tpu.vector_store %arg12[%swap3A_79], %swap3A_82 {strides = array<i32>} : memref<128xi32, #tpu.memory_space<vmem>>, vector<16xi32>,
      %add3A_83 = arith.constant 7 : i32
      %add3A_84 = arith.addi %mul3A_0, %add3A_83 : i32
      %mul3A_85 = arith.constant 16 : i32
      %mul3A_86 = arith.muli %add3A_84, %mul3A_85 : i32
      %add3A_87 = vector.broadcast %mul3A_86 : i32 to vector<16xi32>
      %add3A_88 = arith.addi %get3A_14, %add3A_87 : vector<16xi32>
      %swap3A_89 = arith.constant 112 : index
      %swap3A_90 = tpu.vector_load %arg12[%swap3A_89] {strides = array<i32>} : memref<128xi32, #tpu.memory_space<vmem>>, vector<16xi32>,
      %swap3A_91 = vector.shape_cast %swap3A_90 : vector<16xi32> to vector<16xi32>
      %swap3A_92 = vector.shape_cast %add3A_88 : vector<16xi32> to vector<16xi32>
      tpu.vector_store %arg12[%swap3A_89], %swap3A_92 {strides = array<i32>} : memref<128xi32, #tpu.memory_space<vmem>>, vector<16xi32>,
      %iota3A = tpu.iota {dimensions = array<i32: 0>} : vector<16xi32>
      %eq3A_93 = arith.cmpi eq, %get3A_14, %iota3A : vector<16xi32>
      %jit3A = arith.constant 1 : i32
      %jit3A_94 = arith.constant 0 : i32
      %broadcast_in_dim3A = vector.broadcast %jit3A : i32 to vector<16xi32>
      %broadcast_in_dim3A_95 = vector.broadcast %jit3A_94 : i32 to vector<16xi32>
      %select_n3A = arith.select %eq3A_93, %broadcast_in_dim3A, %broadcast_in_dim3A_95 : vector<16xi1>, vector<16xi32>
      %add3A_96 = arith.constant 8 : i32
      %add3A_97 = vector.broadcast %add3A_96 : i32 to vector<16xi32>
      %add3A_98 = arith.addi %iota3A, %add3A_97 : vector<16xi32>
      %and3A = arith.constant 15 : i32
      %and3A_99 = vector.broadcast %and3A : i32 to vector<16xi32>
      %and3A_100 = arith.andi %add3A_98, %and3A_99 : vector<16xi32>
      %lt3A = arith.constant 0 : i32
      %lt3A_101 = vector.broadcast %lt3A : i32 to vector<16xi32>
      %lt3A_102 = arith.cmpi slt, %and3A_100, %lt3A_101 : vector<16xi32>
      %add3A_103 = arith.constant 16 : i32
      %add3A_104 = vector.broadcast %add3A_103 : i32 to vector<16xi32>
      %add3A_105 = arith.addi %and3A_100, %add3A_104 : vector<16xi32>
      %select_n3A_106 = arith.select %lt3A_102, %add3A_105, %and3A_100 : vector<16xi1>, vector<16xi32>
      %broadcast_in_dim3A_107 = vector.shape_cast %select_n3A_106 : vector<16xi32> to vector<16x1xi32>
      %gather3A = vector.shape_cast %broadcast_in_dim3A_107 : vector<16x1xi32> to vector<16xi32>
      %gather3A_108 = tpu.dynamic_gather %select_n3A[%gather3A] in [0] : vector<16xi32>, vector<16xi32> -> vector<16xi32>
      %and3A_109 = arith.andi %select_n3A, %gather3A_108 : vector<16xi32>
      %add3A_110 = arith.constant 4 : i32
      %add3A_111 = vector.broadcast %add3A_110 : i32 to vector<16xi32>
      %add3A_112 = arith.addi %iota3A, %add3A_111 : vector<16xi32>
      %and3A_113 = arith.constant 15 : i32
      %and3A_114 = vector.broadcast %and3A_113 : i32 to vector<16xi32>
      %and3A_115 = arith.andi %add3A_112, %and3A_114 : vector<16xi32>
      %lt3A_116 = arith.constant 0 : i32
      %lt3A_117 = vector.broadcast %lt3A_116 : i32 to vector<16xi32>
      %lt3A_118 = arith.cmpi slt, %and3A_115, %lt3A_117 : vector<16xi32>
      %add3A_119 = arith.constant 16 : i32
      %add3A_120 = vector.broadcast %add3A_119 : i32 to vector<16xi32>
      %add3A_121 = arith.addi %and3A_115, %add3A_120 : vector<16xi32>
      %select_n3A_122 = arith.select %lt3A_118, %add3A_121, %and3A_115 : vector<16xi1>, vector<16xi32>
      %broadcast_in_dim3A_123 = vector.shape_cast %select_n3A_122 : vector<16xi32> to vector<16x1xi32>
      %gather3A_124 = vector.shape_cast %broadcast_in_dim3A_123 : vector<16x1xi32> to vector<16xi32>
      %gather3A_125 = tpu.dynamic_gather %and3A_109[%gather3A_124] in [0] : vector<16xi32>, vector<16xi32> -> vector<16xi32>
      %and3A_126 = arith.andi %and3A_109, %gather3A_125 : vector<16xi32>
      %add3A_127 = arith.constant 2 : i32
      %add3A_128 = vector.broadcast %add3A_127 : i32 to vector<16xi32>
      %add3A_129 = arith.addi %iota3A, %add3A_128 : vector<16xi32>
      %and3A_130 = arith.constant 15 : i32
      %and3A_131 = vector.broadcast %and3A_130 : i32 to vector<16xi32>
      %and3A_132 = arith.andi %add3A_129, %and3A_131 : vector<16xi32>
      %lt3A_133 = arith.constant 0 : i32
      %lt3A_134 = vector.broadcast %lt3A_133 : i32 to vector<16xi32>
      %lt3A_135 = arith.cmpi slt, %and3A_132, %lt3A_134 : vector<16xi32>
      %add3A_136 = arith.constant 16 : i32
      %add3A_137 = vector.broadcast %add3A_136 : i32 to vector<16xi32>
      %add3A_138 = arith.addi %and3A_132, %add3A_137 : vector<16xi32>
      %select_n3A_139 = arith.select %lt3A_135, %add3A_138, %and3A_132 : vector<16xi1>, vector<16xi32>
      %broadcast_in_dim3A_140 = vector.shape_cast %select_n3A_139 : vector<16xi32> to vector<16x1xi32>
      %gather3A_141 = vector.shape_cast %broadcast_in_dim3A_140 : vector<16x1xi32> to vector<16xi32>
      %gather3A_142 = tpu.dynamic_gather %and3A_126[%gather3A_141] in [0] : vector<16xi32>, vector<16xi32> -> vector<16xi32>
      %and3A_143 = arith.andi %and3A_126, %gather3A_142 : vector<16xi32>
      %add3A_144 = arith.constant 1 : i32
      %add3A_145 = vector.broadcast %add3A_144 : i32 to vector<16xi32>
      %add3A_146 = arith.addi %iota3A, %add3A_145 : vector<16xi32>
      %and3A_147 = arith.constant 15 : i32
      %and3A_148 = vector.broadcast %and3A_147 : i32 to vector<16xi32>
      %and3A_149 = arith.andi %add3A_146, %and3A_148 : vector<16xi32>
      %lt3A_150 = arith.constant 0 : i32
      %lt3A_151 = vector.broadcast %lt3A_150 : i32 to vector<16xi32>
      %lt3A_152 = arith.cmpi slt, %and3A_149, %lt3A_151 : vector<16xi32>
      %add3A_153 = arith.constant 16 : i32
      %add3A_154 = vector.broadcast %add3A_153 : i32 to vector<16xi32>
      %add3A_155 = arith.addi %and3A_149, %add3A_154 : vector<16xi32>
      %select_n3A_156 = arith.select %lt3A_152, %add3A_155, %and3A_149 : vector<16xi1>, vector<16xi32>
      %broadcast_in_dim3A_157 = vector.shape_cast %select_n3A_156 : vector<16xi32> to vector<16x1xi32>
      %gather3A_158 = vector.shape_cast %broadcast_in_dim3A_157 : vector<16x1xi32> to vector<16xi32>
      %gather3A_159 = tpu.dynamic_gather %and3A_143[%gather3A_158] in [0] : vector<16xi32>, vector<16xi32> -> vector<16xi32>
      %and3A_160 = arith.andi %and3A_143, %gather3A_159 : vector<16xi32>
      %slice3A = vector.extract_strided_slice %and3A_160 {offsets = [0], sizes = [1], strides = [1]} : vector<16xi32> to vector<1xi32>
      %squeeze3A = vector.extract %slice3A[0] : i32 from vector<1xi32>
      %eq3A_161 = arith.constant 1 : i32
      %eq3A_162 = arith.cmpi eq, %squeeze3A, %eq3A_161 : i32
      %not3A = arith.constant true
      %not3A_163 = arith.xori %eq3A_162, %not3A : i1
      %convert_element_type3A_164 = arith.extui %not3A_163 : i1 to i32
      %cond3A_165 = arith.constant 0 : i32
      %cond3A_166 = arith.cmpi ne, %convert_element_type3A_164, %cond3A_165 : i32
      scf.if %cond3A_166 {
        %add3A_176 = arith.constant 0 : i32
        %add3A_177 = arith.addi %mul3A_0, %add3A_176 : i32
        %dma_start3A_178 = arith.constant 0 : i32
        %dma_start3A_179 = arith.constant 0 : i32
        %dma_start3A_180 = tpu.memref_slice %arg9[%dma_start3A_178, %dma_start3A_179] : memref<128x128xf32, #tpu.memory_space<vmem>> -> memref<16x128xf32, #tpu.memory_space<vmem>>
        %dma_start3A_181 = arith.constant 0 : i32
        %dma_start3A_182 = arith.constant 0 : i32
        %dma_start3A_183 = tpu.memref_slice %arg5[%add3A_177, %dma_start3A_181, %dma_start3A_182] : memref<128x4096x128xf32, #tpu.memory_space<hbm>> -> memref<1x16x128xf32, #tpu.memory_space<hbm>>
        %dma_start3A_184 = tpu.memref_squeeze %dma_start3A_183 : memref<1x16x128xf32, #tpu.memory_space<hbm>> -> memref<16x128xf32, #tpu.memory_space<hbm>>
        %dma_start3A_185 = arith.constant 0 : i32
        %dma_start3A_186 = arith.constant 0 : i32
        %dma_start3A_187 = tpu.memref_slice %arg9[%dma_start3A_185, %dma_start3A_186] : memref<128x128xf32, #tpu.memory_space<vmem>> -> memref<16x128xf32, #tpu.memory_space<vmem>>
        %dma_start3A_188 = arith.constant 0 : i32
        %dma_start3A_189 = arith.constant 0 : i32
        %dma_start3A_190 = tpu.memref_slice %arg5[%add3A_177, %dma_start3A_188, %dma_start3A_189] : memref<128x4096x128xf32, #tpu.memory_space<hbm>> -> memref<1x16x128xf32, #tpu.memory_space<hbm>>
        %dma_start3A_191 = tpu.memref_squeeze %dma_start3A_190 : memref<1x16x128xf32, #tpu.memory_space<hbm>> -> memref<16x128xf32, #tpu.memory_space<hbm>>
        tpu.enqueue_dma source(%dma_start3A_191 : memref<16x128xf32, #tpu.memory_space<hbm>>) target(%dma_start3A_187 : memref<16x128xf32, #tpu.memory_space<vmem>>) target_semaphore(%arg13 : memref<!tpu.dma_semaphore, #tpu.memory_space<semaphore_mem>>)
        %add3A_192 = arith.constant 1 : i32
        %add3A_193 = arith.addi %mul3A_0, %add3A_192 : i32
        %dma_start3A_194 = arith.constant 16 : i32
        %dma_start3A_195 = arith.constant 0 : i32
        %dma_start3A_196 = tpu.memref_slice %arg9[%dma_start3A_194, %dma_start3A_195] : memref<128x128xf32, #tpu.memory_space<vmem>> -> memref<16x128xf32, #tpu.memory_space<vmem>>
        %dma_start3A_197 = arith.constant 0 : i32
        %dma_start3A_198 = arith.constant 0 : i32
        %dma_start3A_199 = tpu.memref_slice %arg5[%add3A_193, %dma_start3A_197, %dma_start3A_198] : memref<128x4096x128xf32, #tpu.memory_space<hbm>> -> memref<1x16x128xf32, #tpu.memory_space<hbm>>
        %dma_start3A_200 = tpu.memref_squeeze %dma_start3A_199 : memref<1x16x128xf32, #tpu.memory_space<hbm>> -> memref<16x128xf32, #tpu.memory_space<hbm>>
        %dma_start3A_201 = arith.constant 16 : i32
        %dma_start3A_202 = arith.constant 0 : i32
        %dma_start3A_203 = tpu.memref_slice %arg9[%dma_start3A_201, %dma_start3A_202] : memref<128x128xf32, #tpu.memory_space<vmem>> -> memref<16x128xf32, #tpu.memory_space<vmem>>
        %dma_start3A_204 = arith.constant 0 : i32
        %dma_start3A_205 = arith.constant 0 : i32
        %dma_start3A_206 = tpu.memref_slice %arg5[%add3A_193, %dma_start3A_204, %dma_start3A_205] : memref<128x4096x128xf32, #tpu.memory_space<hbm>> -> memref<1x16x128xf32, #tpu.memory_space<hbm>>
        %dma_start3A_207 = tpu.memref_squeeze %dma_start3A_206 : memref<1x16x128xf32, #tpu.memory_space<hbm>> -> memref<16x128xf32, #tpu.memory_space<hbm>>
        tpu.enqueue_dma source(%dma_start3A_207 : memref<16x128xf32, #tpu.memory_space<hbm>>) target(%dma_start3A_203 : memref<16x128xf32, #tpu.memory_space<vmem>>) target_semaphore(%arg13 : memref<!tpu.dma_semaphore, #tpu.memory_space<semaphore_mem>>)
        %add3A_208 = arith.constant 2 : i32
        %add3A_209 = arith.addi %mul3A_0, %add3A_208 : i32
        %dma_start3A_210 = arith.constant 32 : i32
        %dma_start3A_211 = arith.constant 0 : i32
        %dma_start3A_212 = tpu.memref_slice %arg9[%dma_start3A_210, %dma_start3A_211] : memref<128x128xf32, #tpu.memory_space<vmem>> -> memref<16x128xf32, #tpu.memory_space<vmem>>
        %dma_start3A_213 = arith.constant 0 : i32
        %dma_start3A_214 = arith.constant 0 : i32
        %dma_start3A_215 = tpu.memref_slice %arg5[%add3A_209, %dma_start3A_213, %dma_start3A_214] : memref<128x4096x128xf32, #tpu.memory_space<hbm>> -> memref<1x16x128xf32, #tpu.memory_space<hbm>>
        %dma_start3A_216 = tpu.memref_squeeze %dma_start3A_215 : memref<1x16x128xf32, #tpu.memory_space<hbm>> -> memref<16x128xf32, #tpu.memory_space<hbm>>
        %dma_start3A_217 = arith.constant 32 : i32
        %dma_start3A_218 = arith.constant 0 : i32
        %dma_start3A_219 = tpu.memref_slice %arg9[%dma_start3A_217, %dma_start3A_218] : memref<128x128xf32, #tpu.memory_space<vmem>> -> memref<16x128xf32, #tpu.memory_space<vmem>>
        %dma_start3A_220 = arith.constant 0 : i32
        %dma_start3A_221 = arith.constant 0 : i32
        %dma_start3A_222 = tpu.memref_slice %arg5[%add3A_209, %dma_start3A_220, %dma_start3A_221] : memref<128x4096x128xf32, #tpu.memory_space<hbm>> -> memref<1x16x128xf32, #tpu.memory_space<hbm>>
        %dma_start3A_223 = tpu.memref_squeeze %dma_start3A_222 : memref<1x16x128xf32, #tpu.memory_space<hbm>> -> memref<16x128xf32, #tpu.memory_space<hbm>>
        tpu.enqueue_dma source(%dma_start3A_223 : memref<16x128xf32, #tpu.memory_space<hbm>>) target(%dma_start3A_219 : memref<16x128xf32, #tpu.memory_space<vmem>>) target_semaphore(%arg13 : memref<!tpu.dma_semaphore, #tpu.memory_space<semaphore_mem>>)
        %add3A_224 = arith.constant 3 : i32
        %add3A_225 = arith.addi %mul3A_0, %add3A_224 : i32
        %dma_start3A_226 = arith.constant 48 : i32
        %dma_start3A_227 = arith.constant 0 : i32
        %dma_start3A_228 = tpu.memref_slice %arg9[%dma_start3A_226, %dma_start3A_227] : memref<128x128xf32, #tpu.memory_space<vmem>> -> memref<16x128xf32, #tpu.memory_space<vmem>>
        %dma_start3A_229 = arith.constant 0 : i32
        %dma_start3A_230 = arith.constant 0 : i32
        %dma_start3A_231 = tpu.memref_slice %arg5[%add3A_225, %dma_start3A_229, %dma_start3A_230] : memref<128x4096x128xf32, #tpu.memory_space<hbm>> -> memref<1x16x128xf32, #tpu.memory_space<hbm>>
        %dma_start3A_232 = tpu.memref_squeeze %dma_start3A_231 : memref<1x16x128xf32, #tpu.memory_space<hbm>> -> memref<16x128xf32, #tpu.memory_space<hbm>>
        %dma_start3A_233 = arith.constant 48 : i32
        %dma_start3A_234 = arith.constant 0 : i32
        %dma_start3A_235 = tpu.memref_slice %arg9[%dma_start3A_233, %dma_start3A_234] : memref<128x128xf32, #tpu.memory_space<vmem>> -> memref<16x128xf32, #tpu.memory_space<vmem>>
        %dma_start3A_236 = arith.constant 0 : i32
        %dma_start3A_237 = arith.constant 0 : i32
        %dma_start3A_238 = tpu.memref_slice %arg5[%add3A_225, %dma_start3A_236, %dma_start3A_237] : memref<128x4096x128xf32, #tpu.memory_space<hbm>> -> memref<1x16x128xf32, #tpu.memory_space<hbm>>
        %dma_start3A_239 = tpu.memref_squeeze %dma_start3A_238 : memref<1x16x128xf32, #tpu.memory_space<hbm>> -> memref<16x128xf32, #tpu.memory_space<hbm>>
        tpu.enqueue_dma source(%dma_start3A_239 : memref<16x128xf32, #tpu.memory_space<hbm>>) target(%dma_start3A_235 : memref<16x128xf32, #tpu.memory_space<vmem>>) target_semaphore(%arg13 : memref<!tpu.dma_semaphore, #tpu.memory_space<semaphore_mem>>)
        %add3A_240 = arith.constant 4 : i32
        %add3A_241 = arith.addi %mul3A_0, %add3A_240 : i32
        %dma_start3A_242 = arith.constant 64 : i32
        %dma_start3A_243 = arith.constant 0 : i32
        %dma_start3A_244 = tpu.memref_slice %arg9[%dma_start3A_242, %dma_start3A_243] : memref<128x128xf32, #tpu.memory_space<vmem>> -> memref<16x128xf32, #tpu.memory_space<vmem>>
        %dma_start3A_245 = arith.constant 0 : i32
        %dma_start3A_246 = arith.constant 0 : i32
        %dma_start3A_247 = tpu.memref_slice %arg5[%add3A_241, %dma_start3A_245, %dma_start3A_246] : memref<128x4096x128xf32, #tpu.memory_space<hbm>> -> memref<1x16x128xf32, #tpu.memory_space<hbm>>
        %dma_start3A_248 = tpu.memref_squeeze %dma_start3A_247 : memref<1x16x128xf32, #tpu.memory_space<hbm>> -> memref<16x128xf32, #tpu.memory_space<hbm>>
        %dma_start3A_249 = arith.constant 64 : i32
        %dma_start3A_250 = arith.constant 0 : i32
        %dma_start3A_251 = tpu.memref_slice %arg9[%dma_start3A_249, %dma_start3A_250] : memref<128x128xf32, #tpu.memory_space<vmem>> -> memref<16x128xf32, #tpu.memory_space<vmem>>
        %dma_start3A_252 = arith.constant 0 : i32
        %dma_start3A_253 = arith.constant 0 : i32
        %dma_start3A_254 = tpu.memref_slice %arg5[%add3A_241, %dma_start3A_252, %dma_start3A_253] : memref<128x4096x128xf32, #tpu.memory_space<hbm>> -> memref<1x16x128xf32, #tpu.memory_space<hbm>>
        %dma_start3A_255 = tpu.memref_squeeze %dma_start3A_254 : memref<1x16x128xf32, #tpu.memory_space<hbm>> -> memref<16x128xf32, #tpu.memory_space<hbm>>
        tpu.enqueue_dma source(%dma_start3A_255 : memref<16x128xf32, #tpu.memory_space<hbm>>) target(%dma_start3A_251 : memref<16x128xf32, #tpu.memory_space<vmem>>) target_semaphore(%arg13 : memref<!tpu.dma_semaphore, #tpu.memory_space<semaphore_mem>>)
        %add3A_256 = arith.constant 5 : i32
        %add3A_257 = arith.addi %mul3A_0, %add3A_256 : i32
        %dma_start3A_258 = arith.constant 80 : i32
        %dma_start3A_259 = arith.constant 0 : i32
        %dma_start3A_260 = tpu.memref_slice %arg9[%dma_start3A_258, %dma_start3A_259] : memref<128x128xf32, #tpu.memory_space<vmem>> -> memref<16x128xf32, #tpu.memory_space<vmem>>
        %dma_start3A_261 = arith.constant 0 : i32
        %dma_start3A_262 = arith.constant 0 : i32
        %dma_start3A_263 = tpu.memref_slice %arg5[%add3A_257, %dma_start3A_261, %dma_start3A_262] : memref<128x4096x128xf32, #tpu.memory_space<hbm>> -> memref<1x16x128xf32, #tpu.memory_space<hbm>>
        %dma_start3A_264 = tpu.memref_squeeze %dma_start3A_263 : memref<1x16x128xf32, #tpu.memory_space<hbm>> -> memref<16x128xf32, #tpu.memory_space<hbm>>
        %dma_start3A_265 = arith.constant 80 : i32
        %dma_start3A_266 = arith.constant 0 : i32
        %dma_start3A_267 = tpu.memref_slice %arg9[%dma_start3A_265, %dma_start3A_266] : memref<128x128xf32, #tpu.memory_space<vmem>> -> memref<16x128xf32, #tpu.memory_space<vmem>>
        %dma_start3A_268 = arith.constant 0 : i32
        %dma_start3A_269 = arith.constant 0 : i32
        %dma_start3A_270 = tpu.memref_slice %arg5[%add3A_257, %dma_start3A_268, %dma_start3A_269] : memref<128x4096x128xf32, #tpu.memory_space<hbm>> -> memref<1x16x128xf32, #tpu.memory_space<hbm>>
        %dma_start3A_271 = tpu.memref_squeeze %dma_start3A_270 : memref<1x16x128xf32, #tpu.memory_space<hbm>> -> memref<16x128xf32, #tpu.memory_space<hbm>>
        tpu.enqueue_dma source(%dma_start3A_271 : memref<16x128xf32, #tpu.memory_space<hbm>>) target(%dma_start3A_267 : memref<16x128xf32, #tpu.memory_space<vmem>>) target_semaphore(%arg13 : memref<!tpu.dma_semaphore, #tpu.memory_space<semaphore_mem>>)
        %add3A_272 = arith.constant 6 : i32
        %add3A_273 = arith.addi %mul3A_0, %add3A_272 : i32
        %dma_start3A_274 = arith.constant 96 : i32
        %dma_start3A_275 = arith.constant 0 : i32
        %dma_start3A_276 = tpu.memref_slice %arg9[%dma_start3A_274, %dma_start3A_275] : memref<128x128xf32, #tpu.memory_space<vmem>> -> memref<16x128xf32, #tpu.memory_space<vmem>>
        %dma_start3A_277 = arith.constant 0 : i32
        %dma_start3A_278 = arith.constant 0 : i32
        %dma_start3A_279 = tpu.memref_slice %arg5[%add3A_273, %dma_start3A_277, %dma_start3A_278] : memref<128x4096x128xf32, #tpu.memory_space<hbm>> -> memref<1x16x128xf32, #tpu.memory_space<hbm>>
        %dma_start3A_280 = tpu.memref_squeeze %dma_start3A_279 : memref<1x16x128xf32, #tpu.memory_space<hbm>> -> memref<16x128xf32, #tpu.memory_space<hbm>>
        %dma_start3A_281 = arith.constant 96 : i32
        %dma_start3A_282 = arith.constant 0 : i32
        %dma_start3A_283 = tpu.memref_slice %arg9[%dma_start3A_281, %dma_start3A_282] : memref<128x128xf32, #tpu.memory_space<vmem>> -> memref<16x128xf32, #tpu.memory_space<vmem>>
        %dma_start3A_284 = arith.constant 0 : i32
        %dma_start3A_285 = arith.constant 0 : i32
        %dma_start3A_286 = tpu.memref_slice %arg5[%add3A_273, %dma_start3A_284, %dma_start3A_285] : memref<128x4096x128xf32, #tpu.memory_space<hbm>> -> memref<1x16x128xf32, #tpu.memory_space<hbm>>
        %dma_start3A_287 = tpu.memref_squeeze %dma_start3A_286 : memref<1x16x128xf32, #tpu.memory_space<hbm>> -> memref<16x128xf32, #tpu.memory_space<hbm>>
        tpu.enqueue_dma source(%dma_start3A_287 : memref<16x128xf32, #tpu.memory_space<hbm>>) target(%dma_start3A_283 : memref<16x128xf32, #tpu.memory_space<vmem>>) target_semaphore(%arg13 : memref<!tpu.dma_semaphore, #tpu.memory_space<semaphore_mem>>)
        %add3A_288 = arith.constant 7 : i32
        %add3A_289 = arith.addi %mul3A_0, %add3A_288 : i32
        %dma_start3A_290 = arith.constant 112 : i32
        %dma_start3A_291 = arith.constant 0 : i32
        %dma_start3A_292 = tpu.memref_slice %arg9[%dma_start3A_290, %dma_start3A_291] : memref<128x128xf32, #tpu.memory_space<vmem>> -> memref<16x128xf32, #tpu.memory_space<vmem>>
        %dma_start3A_293 = arith.constant 0 : i32
        %dma_start3A_294 = arith.constant 0 : i32
        %dma_start3A_295 = tpu.memref_slice %arg5[%add3A_289, %dma_start3A_293, %dma_start3A_294] : memref<128x4096x128xf32, #tpu.memory_space<hbm>> -> memref<1x16x128xf32, #tpu.memory_space<hbm>>
        %dma_start3A_296 = tpu.memref_squeeze %dma_start3A_295 : memref<1x16x128xf32, #tpu.memory_space<hbm>> -> memref<16x128xf32, #tpu.memory_space<hbm>>
        %dma_start3A_297 = arith.constant 112 : i32
        %dma_start3A_298 = arith.constant 0 : i32
        %dma_start3A_299 = tpu.memref_slice %arg9[%dma_start3A_297, %dma_start3A_298] : memref<128x128xf32, #tpu.memory_space<vmem>> -> memref<16x128xf32, #tpu.memory_space<vmem>>
        %dma_start3A_300 = arith.constant 0 : i32
        %dma_start3A_301 = arith.constant 0 : i32
        %dma_start3A_302 = tpu.memref_slice %arg5[%add3A_289, %dma_start3A_300, %dma_start3A_301] : memref<128x4096x128xf32, #tpu.memory_space<hbm>> -> memref<1x16x128xf32, #tpu.memory_space<hbm>>
        %dma_start3A_303 = tpu.memref_squeeze %dma_start3A_302 : memref<1x16x128xf32, #tpu.memory_space<hbm>> -> memref<16x128xf32, #tpu.memory_space<hbm>>
        tpu.enqueue_dma source(%dma_start3A_303 : memref<16x128xf32, #tpu.memory_space<hbm>>) target(%dma_start3A_299 : memref<16x128xf32, #tpu.memory_space<vmem>>) target_semaphore(%arg13 : memref<!tpu.dma_semaphore, #tpu.memory_space<semaphore_mem>>)
        %dma_wait3A_304 = arith.constant 0 : i32
        %dma_wait3A_305 = arith.constant 0 : i32
        %dma_wait3A_306 = tpu.memref_slice %arg9[%dma_wait3A_304, %dma_wait3A_305] : memref<128x128xf32, #tpu.memory_space<vmem>> -> memref<16x128xf32, #tpu.memory_space<vmem>>
        %dma_wait3A_307 = arith.constant 0 : i32
        %dma_wait3A_308 = arith.constant 0 : i32
        %dma_wait3A_309 = tpu.memref_slice %arg5[%add3A_177, %dma_wait3A_307, %dma_wait3A_308] : memref<128x4096x128xf32, #tpu.memory_space<hbm>> -> memref<1x16x128xf32, #tpu.memory_space<hbm>>
        %dma_wait3A_310 = tpu.memref_squeeze %dma_wait3A_309 : memref<1x16x128xf32, #tpu.memory_space<hbm>> -> memref<16x128xf32, #tpu.memory_space<hbm>>
        %dma_wait3A_311 = arith.constant 0 : i32
        %dma_wait3A_312 = arith.constant 0 : i32
        %dma_wait3A_313 = tpu.memref_slice %arg9[%dma_wait3A_311, %dma_wait3A_312] : memref<128x128xf32, #tpu.memory_space<vmem>> -> memref<16x128xf32, #tpu.memory_space<vmem>>
        %dma_wait3A_314 = arith.constant 0 : i32
        %dma_wait3A_315 = arith.constant 0 : i32
        %dma_wait3A_316 = tpu.memref_slice %arg5[%add3A_177, %dma_wait3A_314, %dma_wait3A_315] : memref<128x4096x128xf32, #tpu.memory_space<hbm>> -> memref<1x16x128xf32, #tpu.memory_space<hbm>>
        %dma_wait3A_317 = tpu.memref_squeeze %dma_wait3A_316 : memref<1x16x128xf32, #tpu.memory_space<hbm>> -> memref<16x128xf32, #tpu.memory_space<hbm>>
        tpu.wait_dma2 semaphore(%arg13 : memref<!tpu.dma_semaphore, #tpu.memory_space<semaphore_mem>>) src(%dma_wait3A_317 : memref<16x128xf32, #tpu.memory_space<hbm>>) dst(%dma_wait3A_313 : memref<16x128xf32, #tpu.memory_space<vmem>>)
        %dma_wait3A_318 = arith.constant 16 : i32
        %dma_wait3A_319 = arith.constant 0 : i32
        %dma_wait3A_320 = tpu.memref_slice %arg9[%dma_wait3A_318, %dma_wait3A_319] : memref<128x128xf32, #tpu.memory_space<vmem>> -> memref<16x128xf32, #tpu.memory_space<vmem>>
        %dma_wait3A_321 = arith.constant 0 : i32
        %dma_wait3A_322 = arith.constant 0 : i32
        %dma_wait3A_323 = tpu.memref_slice %arg5[%add3A_193, %dma_wait3A_321, %dma_wait3A_322] : memref<128x4096x128xf32, #tpu.memory_space<hbm>> -> memref<1x16x128xf32, #tpu.memory_space<hbm>>
        %dma_wait3A_324 = tpu.memref_squeeze %dma_wait3A_323 : memref<1x16x128xf32, #tpu.memory_space<hbm>> -> memref<16x128xf32, #tpu.memory_space<hbm>>
        %dma_wait3A_325 = arith.constant 16 : i32
        %dma_wait3A_326 = arith.constant 0 : i32
        %dma_wait3A_327 = tpu.memref_slice %arg9[%dma_wait3A_325, %dma_wait3A_326] : memref<128x128xf32, #tpu.memory_space<vmem>> -> memref<16x128xf32, #tpu.memory_space<vmem>>
        %dma_wait3A_328 = arith.constant 0 : i32
        %dma_wait3A_329 = arith.constant 0 : i32
        %dma_wait3A_330 = tpu.memref_slice %arg5[%add3A_193, %dma_wait3A_328, %dma_wait3A_329] : memref<128x4096x128xf32, #tpu.memory_space<hbm>> -> memref<1x16x128xf32, #tpu.memory_space<hbm>>
        %dma_wait3A_331 = tpu.memref_squeeze %dma_wait3A_330 : memref<1x16x128xf32, #tpu.memory_space<hbm>> -> memref<16x128xf32, #tpu.memory_space<hbm>>
        tpu.wait_dma2 semaphore(%arg13 : memref<!tpu.dma_semaphore, #tpu.memory_space<semaphore_mem>>) src(%dma_wait3A_331 : memref<16x128xf32, #tpu.memory_space<hbm>>) dst(%dma_wait3A_327 : memref<16x128xf32, #tpu.memory_space<vmem>>)
        %dma_wait3A_332 = arith.constant 32 : i32
        %dma_wait3A_333 = arith.constant 0 : i32
        %dma_wait3A_334 = tpu.memref_slice %arg9[%dma_wait3A_332, %dma_wait3A_333] : memref<128x128xf32, #tpu.memory_space<vmem>> -> memref<16x128xf32, #tpu.memory_space<vmem>>
        %dma_wait3A_335 = arith.constant 0 : i32
        %dma_wait3A_336 = arith.constant 0 : i32
        %dma_wait3A_337 = tpu.memref_slice %arg5[%add3A_209, %dma_wait3A_335, %dma_wait3A_336] : memref<128x4096x128xf32, #tpu.memory_space<hbm>> -> memref<1x16x128xf32, #tpu.memory_space<hbm>>
        %dma_wait3A_338 = tpu.memref_squeeze %dma_wait3A_337 : memref<1x16x128xf32, #tpu.memory_space<hbm>> -> memref<16x128xf32, #tpu.memory_space<hbm>>
        %dma_wait3A_339 = arith.constant 32 : i32
        %dma_wait3A_340 = arith.constant 0 : i32
        %dma_wait3A_341 = tpu.memref_slice %arg9[%dma_wait3A_339, %dma_wait3A_340] : memref<128x128xf32, #tpu.memory_space<vmem>> -> memref<16x128xf32, #tpu.memory_space<vmem>>
        %dma_wait3A_342 = arith.constant 0 : i32
        %dma_wait3A_343 = arith.constant 0 : i32
        %dma_wait3A_344 = tpu.memref_slice %arg5[%add3A_209, %dma_wait3A_342, %dma_wait3A_343] : memref<128x4096x128xf32, #tpu.memory_space<hbm>> -> memref<1x16x128xf32, #tpu.memory_space<hbm>>
        %dma_wait3A_345 = tpu.memref_squeeze %dma_wait3A_344 : memref<1x16x128xf32, #tpu.memory_space<hbm>> -> memref<16x128xf32, #tpu.memory_space<hbm>>
        tpu.wait_dma2 semaphore(%arg13 : memref<!tpu.dma_semaphore, #tpu.memory_space<semaphore_mem>>) src(%dma_wait3A_345 : memref<16x128xf32, #tpu.memory_space<hbm>>) dst(%dma_wait3A_341 : memref<16x128xf32, #tpu.memory_space<vmem>>)
        %dma_wait3A_346 = arith.constant 48 : i32
        %dma_wait3A_347 = arith.constant 0 : i32
        %dma_wait3A_348 = tpu.memref_slice %arg9[%dma_wait3A_346, %dma_wait3A_347] : memref<128x128xf32, #tpu.memory_space<vmem>> -> memref<16x128xf32, #tpu.memory_space<vmem>>
        %dma_wait3A_349 = arith.constant 0 : i32
        %dma_wait3A_350 = arith.constant 0 : i32
        %dma_wait3A_351 = tpu.memref_slice %arg5[%add3A_225, %dma_wait3A_349, %dma_wait3A_350] : memref<128x4096x128xf32, #tpu.memory_space<hbm>> -> memref<1x16x128xf32, #tpu.memory_space<hbm>>
        %dma_wait3A_352 = tpu.memref_squeeze %dma_wait3A_351 : memref<1x16x128xf32, #tpu.memory_space<hbm>> -> memref<16x128xf32, #tpu.memory_space<hbm>>
        %dma_wait3A_353 = arith.constant 48 : i32
        %dma_wait3A_354 = arith.constant 0 : i32
        %dma_wait3A_355 = tpu.memref_slice %arg9[%dma_wait3A_353, %dma_wait3A_354] : memref<128x128xf32, #tpu.memory_space<vmem>> -> memref<16x128xf32, #tpu.memory_space<vmem>>
        %dma_wait3A_356 = arith.constant 0 : i32
        %dma_wait3A_357 = arith.constant 0 : i32
        %dma_wait3A_358 = tpu.memref_slice %arg5[%add3A_225, %dma_wait3A_356, %dma_wait3A_357] : memref<128x4096x128xf32, #tpu.memory_space<hbm>> -> memref<1x16x128xf32, #tpu.memory_space<hbm>>
        %dma_wait3A_359 = tpu.memref_squeeze %dma_wait3A_358 : memref<1x16x128xf32, #tpu.memory_space<hbm>> -> memref<16x128xf32, #tpu.memory_space<hbm>>
        tpu.wait_dma2 semaphore(%arg13 : memref<!tpu.dma_semaphore, #tpu.memory_space<semaphore_mem>>) src(%dma_wait3A_359 : memref<16x128xf32, #tpu.memory_space<hbm>>) dst(%dma_wait3A_355 : memref<16x128xf32, #tpu.memory_space<vmem>>)
        %dma_wait3A_360 = arith.constant 64 : i32
        %dma_wait3A_361 = arith.constant 0 : i32
        %dma_wait3A_362 = tpu.memref_slice %arg9[%dma_wait3A_360, %dma_wait3A_361] : memref<128x128xf32, #tpu.memory_space<vmem>> -> memref<16x128xf32, #tpu.memory_space<vmem>>
        %dma_wait3A_363 = arith.constant 0 : i32
        %dma_wait3A_364 = arith.constant 0 : i32
        %dma_wait3A_365 = tpu.memref_slice %arg5[%add3A_241, %dma_wait3A_363, %dma_wait3A_364] : memref<128x4096x128xf32, #tpu.memory_space<hbm>> -> memref<1x16x128xf32, #tpu.memory_space<hbm>>
        %dma_wait3A_366 = tpu.memref_squeeze %dma_wait3A_365 : memref<1x16x128xf32, #tpu.memory_space<hbm>> -> memref<16x128xf32, #tpu.memory_space<hbm>>
        %dma_wait3A_367 = arith.constant 64 : i32
        %dma_wait3A_368 = arith.constant 0 : i32
        %dma_wait3A_369 = tpu.memref_slice %arg9[%dma_wait3A_367, %dma_wait3A_368] : memref<128x128xf32, #tpu.memory_space<vmem>> -> memref<16x128xf32, #tpu.memory_space<vmem>>
        %dma_wait3A_370 = arith.constant 0 : i32
        %dma_wait3A_371 = arith.constant 0 : i32
        %dma_wait3A_372 = tpu.memref_slice %arg5[%add3A_241, %dma_wait3A_370, %dma_wait3A_371] : memref<128x4096x128xf32, #tpu.memory_space<hbm>> -> memref<1x16x128xf32, #tpu.memory_space<hbm>>
        %dma_wait3A_373 = tpu.memref_squeeze %dma_wait3A_372 : memref<1x16x128xf32, #tpu.memory_space<hbm>> -> memref<16x128xf32, #tpu.memory_space<hbm>>
        tpu.wait_dma2 semaphore(%arg13 : memref<!tpu.dma_semaphore, #tpu.memory_space<semaphore_mem>>) src(%dma_wait3A_373 : memref<16x128xf32, #tpu.memory_space<hbm>>) dst(%dma_wait3A_369 : memref<16x128xf32, #tpu.memory_space<vmem>>)
        %dma_wait3A_374 = arith.constant 80 : i32
        %dma_wait3A_375 = arith.constant 0 : i32
        %dma_wait3A_376 = tpu.memref_slice %arg9[%dma_wait3A_374, %dma_wait3A_375] : memref<128x128xf32, #tpu.memory_space<vmem>> -> memref<16x128xf32, #tpu.memory_space<vmem>>
        %dma_wait3A_377 = arith.constant 0 : i32
        %dma_wait3A_378 = arith.constant 0 : i32
        %dma_wait3A_379 = tpu.memref_slice %arg5[%add3A_257, %dma_wait3A_377, %dma_wait3A_378] : memref<128x4096x128xf32, #tpu.memory_space<hbm>> -> memref<1x16x128xf32, #tpu.memory_space<hbm>>
        %dma_wait3A_380 = tpu.memref_squeeze %dma_wait3A_379 : memref<1x16x128xf32, #tpu.memory_space<hbm>> -> memref<16x128xf32, #tpu.memory_space<hbm>>
        %dma_wait3A_381 = arith.constant 80 : i32
        %dma_wait3A_382 = arith.constant 0 : i32
        %dma_wait3A_383 = tpu.memref_slice %arg9[%dma_wait3A_381, %dma_wait3A_382] : memref<128x128xf32, #tpu.memory_space<vmem>> -> memref<16x128xf32, #tpu.memory_space<vmem>>
        %dma_wait3A_384 = arith.constant 0 : i32
        %dma_wait3A_385 = arith.constant 0 : i32
        %dma_wait3A_386 = tpu.memref_slice %arg5[%add3A_257, %dma_wait3A_384, %dma_wait3A_385] : memref<128x4096x128xf32, #tpu.memory_space<hbm>> -> memref<1x16x128xf32, #tpu.memory_space<hbm>>
        %dma_wait3A_387 = tpu.memref_squeeze %dma_wait3A_386 : memref<1x16x128xf32, #tpu.memory_space<hbm>> -> memref<16x128xf32, #tpu.memory_space<hbm>>
        tpu.wait_dma2 semaphore(%arg13 : memref<!tpu.dma_semaphore, #tpu.memory_space<semaphore_mem>>) src(%dma_wait3A_387 : memref<16x128xf32, #tpu.memory_space<hbm>>) dst(%dma_wait3A_383 : memref<16x128xf32, #tpu.memory_space<vmem>>)
        %dma_wait3A_388 = arith.constant 96 : i32
        %dma_wait3A_389 = arith.constant 0 : i32
        %dma_wait3A_390 = tpu.memref_slice %arg9[%dma_wait3A_388, %dma_wait3A_389] : memref<128x128xf32, #tpu.memory_space<vmem>> -> memref<16x128xf32, #tpu.memory_space<vmem>>
        %dma_wait3A_391 = arith.constant 0 : i32
        %dma_wait3A_392 = arith.constant 0 : i32
        %dma_wait3A_393 = tpu.memref_slice %arg5[%add3A_273, %dma_wait3A_391, %dma_wait3A_392] : memref<128x4096x128xf32, #tpu.memory_space<hbm>> -> memref<1x16x128xf32, #tpu.memory_space<hbm>>
        %dma_wait3A_394 = tpu.memref_squeeze %dma_wait3A_393 : memref<1x16x128xf32, #tpu.memory_space<hbm>> -> memref<16x128xf32, #tpu.memory_space<hbm>>
        %dma_wait3A_395 = arith.constant 96 : i32
        %dma_wait3A_396 = arith.constant 0 : i32
        %dma_wait3A_397 = tpu.memref_slice %arg9[%dma_wait3A_395, %dma_wait3A_396] : memref<128x128xf32, #tpu.memory_space<vmem>> -> memref<16x128xf32, #tpu.memory_space<vmem>>
        %dma_wait3A_398 = arith.constant 0 : i32
        %dma_wait3A_399 = arith.constant 0 : i32
        %dma_wait3A_400 = tpu.memref_slice %arg5[%add3A_273, %dma_wait3A_398, %dma_wait3A_399] : memref<128x4096x128xf32, #tpu.memory_space<hbm>> -> memref<1x16x128xf32, #tpu.memory_space<hbm>>
        %dma_wait3A_401 = tpu.memref_squeeze %dma_wait3A_400 : memref<1x16x128xf32, #tpu.memory_space<hbm>> -> memref<16x128xf32, #tpu.memory_space<hbm>>
        tpu.wait_dma2 semaphore(%arg13 : memref<!tpu.dma_semaphore, #tpu.memory_space<semaphore_mem>>) src(%dma_wait3A_401 : memref<16x128xf32, #tpu.memory_space<hbm>>) dst(%dma_wait3A_397 : memref<16x128xf32, #tpu.memory_space<vmem>>)
        %dma_wait3A_402 = arith.constant 112 : i32
        %dma_wait3A_403 = arith.constant 0 : i32
        %dma_wait3A_404 = tpu.memref_slice %arg9[%dma_wait3A_402, %dma_wait3A_403] : memref<128x128xf32, #tpu.memory_space<vmem>> -> memref<16x128xf32, #tpu.memory_space<vmem>>
        %dma_wait3A_405 = arith.constant 0 : i32
        %dma_wait3A_406 = arith.constant 0 : i32
        %dma_wait3A_407 = tpu.memref_slice %arg5[%add3A_289, %dma_wait3A_405, %dma_wait3A_406] : memref<128x4096x128xf32, #tpu.memory_space<hbm>> -> memref<1x16x128xf32, #tpu.memory_space<hbm>>
        %dma_wait3A_408 = tpu.memref_squeeze %dma_wait3A_407 : memref<1x16x128xf32, #tpu.memory_space<hbm>> -> memref<16x128xf32, #tpu.memory_space<hbm>>
        %dma_wait3A_409 = arith.constant 112 : i32
        %dma_wait3A_410 = arith.constant 0 : i32
        %dma_wait3A_411 = tpu.memref_slice %arg9[%dma_wait3A_409, %dma_wait3A_410] : memref<128x128xf32, #tpu.memory_space<vmem>> -> memref<16x128xf32, #tpu.memory_space<vmem>>
        %dma_wait3A_412 = arith.constant 0 : i32
        %dma_wait3A_413 = arith.constant 0 : i32
        %dma_wait3A_414 = tpu.memref_slice %arg5[%add3A_289, %dma_wait3A_412, %dma_wait3A_413] : memref<128x4096x128xf32, #tpu.memory_space<hbm>> -> memref<1x16x128xf32, #tpu.memory_space<hbm>>
        %dma_wait3A_415 = tpu.memref_squeeze %dma_wait3A_414 : memref<1x16x128xf32, #tpu.memory_space<hbm>> -> memref<16x128xf32, #tpu.memory_space<hbm>>
        tpu.wait_dma2 semaphore(%arg13 : memref<!tpu.dma_semaphore, #tpu.memory_space<semaphore_mem>>) src(%dma_wait3A_415 : memref<16x128xf32, #tpu.memory_space<hbm>>) dst(%dma_wait3A_411 : memref<16x128xf32, #tpu.memory_space<vmem>>)
        %dma_start3A_416 = arith.constant 0 : i32
        %dma_start3A_417 = tpu.memref_slice %arg7[%mul3A_2, %dma_start3A_416] : memref<2048x128xf32, #tpu.memory_space<hbm>> -> memref<128x128xf32, #tpu.memory_space<hbm>>
        %dma_start3A_418 = arith.constant 0 : i32
        %dma_start3A_419 = tpu.memref_slice %arg7[%mul3A_2, %dma_start3A_418] : memref<2048x128xf32, #tpu.memory_space<hbm>> -> memref<128x128xf32, #tpu.memory_space<hbm>>
        tpu.enqueue_dma source(%arg9 : memref<128x128xf32, #tpu.memory_space<vmem>>) target(%dma_start3A_419 : memref<128x128xf32, #tpu.memory_space<hbm>>) target_semaphore(%arg13 : memref<!tpu.dma_semaphore, #tpu.memory_space<semaphore_mem>>)
        %dma_wait3A_420 = arith.constant 0 : i32
        %dma_wait3A_421 = tpu.memref_slice %arg7[%mul3A_2, %dma_wait3A_420] : memref<2048x128xf32, #tpu.memory_space<hbm>> -> memref<128x128xf32, #tpu.memory_space<hbm>>
        %dma_wait3A_422 = arith.constant 0 : i32
        %dma_wait3A_423 = tpu.memref_slice %arg7[%mul3A_2, %dma_wait3A_422] : memref<2048x128xf32, #tpu.memory_space<hbm>> -> memref<128x128xf32, #tpu.memory_space<hbm>>
        tpu.wait_dma2 semaphore(%arg13 : memref<!tpu.dma_semaphore, #tpu.memory_space<semaphore_mem>>) src(%arg9 : memref<128x128xf32, #tpu.memory_space<vmem>>) dst(%dma_wait3A_423 : memref<128x128xf32, #tpu.memory_space<hbm>>)
      } else {
      }
      %dma_wait3A = arith.constant 0 : i32
      %dma_wait3A_167 = tpu.memref_slice %arg3[%mul3A_2, %dma_wait3A] : memref<2048x128xf32, #tpu.memory_space<hbm>> -> memref<128x128xf32, #tpu.memory_space<hbm>>
      %dma_wait3A_168 = arith.constant 0 : i32
      %dma_wait3A_169 = tpu.memref_slice %arg3[%mul3A_2, %dma_wait3A_168] : memref<2048x128xf32, #tpu.memory_space<hbm>> -> memref<128x128xf32, #tpu.memory_space<hbm>>
      tpu.wait_dma2 semaphore(%arg13 : memref<!tpu.dma_semaphore, #tpu.memory_space<semaphore_mem>>) src(%dma_wait3A_169 : memref<128x128xf32, #tpu.memory_space<hbm>>) dst(%arg10 : memref<128x128xf32, #tpu.memory_space<vmem>>)
      %dma_start3A_170 = arith.constant 0 : i32
      %dma_start3A_171 = arith.constant 0 : i32
      %dma_start3A_172 = tpu.memref_slice %arg7[%dma_start3A_170, %dma_start3A_171] : memref<2048x128xf32, #tpu.memory_space<hbm>> -> memref<2048x128xf32, #tpu.memory_space<hbm>>
      tpu.enqueue_indirect_dma source(%arg10 : memref<128x128xf32, #tpu.memory_space<vmem>>) target(%dma_start3A_172 : memref<2048x128xf32, #tpu.memory_space<hbm>>) offsets(%arg12 : memref<128xi32, #tpu.memory_space<vmem>>) semaphore(%arg13 : memref<!tpu.dma_semaphore, #tpu.memory_space<semaphore_mem>>)
      %dma_wait3A_173 = arith.constant 0 : i32
      %dma_wait3A_174 = arith.constant 0 : i32
      %dma_wait3A_175 = tpu.memref_slice %arg7[%dma_wait3A_173, %dma_wait3A_174] : memref<2048x128xf32, #tpu.memory_space<hbm>> -> memref<2048x128xf32, #tpu.memory_space<hbm>>
      tpu.wait_indirect_dma semaphore(%arg13 : memref<!tpu.dma_semaphore, #tpu.memory_space<semaphore_mem>>) src(%arg10 : memref<128x128xf32, #tpu.memory_space<vmem>>) dst(%dma_wait3A_175 : memref<2048x128xf32, #tpu.memory_space<hbm>>)
    } else {
    }
    %eq3A_5 = arith.constant 1 : i32
    %eq3A_6 = arith.cmpi eq, %arg0, %eq3A_5 : i32
    %convert_element_type3A_7 = arith.extui %eq3A_6 : i1 to i32
    %cond3A_8 = arith.constant 0 : i32
    %cond3A_9 = arith.cmpi ne, %convert_element_type3A_7, %cond3A_8 : i32
    scf.if %cond3A_9 {
      %dma_start3A = arith.constant 0 : i32
      %dma_start3A_10 = tpu.memref_slice %arg4[%mul3A_2, %dma_start3A] : memref<2048x128xf32, #tpu.memory_space<hbm>> -> memref<128x128xf32, #tpu.memory_space<hbm>>
      %dma_start3A_11 = arith.constant 0 : i32
      %dma_start3A_12 = tpu.memref_slice %arg4[%mul3A_2, %dma_start3A_11] : memref<2048x128xf32, #tpu.memory_space<hbm>> -> memref<128x128xf32, #tpu.memory_space<hbm>>
      tpu.enqueue_dma source(%dma_start3A_12 : memref<128x128xf32, #tpu.memory_space<hbm>>) target(%arg10 : memref<128x128xf32, #tpu.memory_space<vmem>>) target_semaphore(%arg13 : memref<!tpu.dma_semaphore, #tpu.memory_space<semaphore_mem>>)
      tpu.wait_dma2 semaphore(%arg14 : memref<!tpu.dma_semaphore, #tpu.memory_space<semaphore_mem>>) src(%arg2 : memref<16xi32, #tpu.memory_space<hbm>>) dst(%arg11 : memref<16xi32, #tpu.memory_space<vmem>>)
      %get3A = arith.constant 0 : index
      %get3A_13 = tpu.vector_load %arg11[%get3A] {strides = array<i32>} : memref<16xi32, #tpu.memory_space<vmem>>, vector<16xi32>,
      %get3A_14 = vector.shape_cast %get3A_13 : vector<16xi32> to vector<16xi32>
      %add3A = arith.constant 0 : i32
      %add3A_15 = arith.addi %mul3A_0, %add3A : i32
      %mul3A_16 = arith.constant 16 : i32
      %mul3A_17 = arith.muli %add3A_15, %mul3A_16 : i32
      %add3A_18 = vector.broadcast %mul3A_17 : i32 to vector<16xi32>
      %add3A_19 = arith.addi %get3A_14, %add3A_18 : vector<16xi32>
      %swap3A = arith.constant 0 : index
      %swap3A_20 = tpu.vector_load %arg12[%swap3A] {strides = array<i32>} : memref<128xi32, #tpu.memory_space<vmem>>, vector<16xi32>,
      %swap3A_21 = vector.shape_cast %swap3A_20 : vector<16xi32> to vector<16xi32>
      %swap3A_22 = vector.shape_cast %add3A_19 : vector<16xi32> to vector<16xi32>
      tpu.vector_store %arg12[%swap3A], %swap3A_22 {strides = array<i32>} : memref<128xi32, #tpu.memory_space<vmem>>, vector<16xi32>,
      %add3A_23 = arith.constant 1 : i32
      %add3A_24 = arith.addi %mul3A_0, %add3A_23 : i32
      %mul3A_25 = arith.constant 16 : i32
      %mul3A_26 = arith.muli %add3A_24, %mul3A_25 : i32
      %add3A_27 = vector.broadcast %mul3A_26 : i32 to vector<16xi32>
      %add3A_28 = arith.addi %get3A_14, %add3A_27 : vector<16xi32>
      %swap3A_29 = arith.constant 16 : index
      %swap3A_30 = tpu.vector_load %arg12[%swap3A_29] {strides = array<i32>} : memref<128xi32, #tpu.memory_space<vmem>>, vector<16xi32>,
      %swap3A_31 = vector.shape_cast %swap3A_30 : vector<16xi32> to vector<16xi32>
      %swap3A_32 = vector.shape_cast %add3A_28 : vector<16xi32> to vector<16xi32>
      tpu.vector_store %arg12[%swap3A_29], %swap3A_32 {strides = array<i32>} : memref<128xi32, #tpu.memory_space<vmem>>, vector<16xi32>,
      %add3A_33 = arith.constant 2 : i32
      %add3A_34 = arith.addi %mul3A_0, %add3A_33 : i32
      %mul3A_35 = arith.constant 16 : i32
      %mul3A_36 = arith.muli %add3A_34, %mul3A_35 : i32
      %add3A_37 = vector.broadcast %mul3A_36 : i32 to vector<16xi32>
      %add3A_38 = arith.addi %get3A_14, %add3A_37 : vector<16xi32>
      %swap3A_39 = arith.constant 32 : index
      %swap3A_40 = tpu.vector_load %arg12[%swap3A_39] {strides = array<i32>} : memref<128xi32, #tpu.memory_space<vmem>>, vector<16xi32>,
      %swap3A_41 = vector.shape_cast %swap3A_40 : vector<16xi32> to vector<16xi32>
      %swap3A_42 = vector.shape_cast %add3A_38 : vector<16xi32> to vector<16xi32>
      tpu.vector_store %arg12[%swap3A_39], %swap3A_42 {strides = array<i32>} : memref<128xi32, #tpu.memory_space<vmem>>, vector<16xi32>,
      %add3A_43 = arith.constant 3 : i32
      %add3A_44 = arith.addi %mul3A_0, %add3A_43 : i32
      %mul3A_45 = arith.constant 16 : i32
      %mul3A_46 = arith.muli %add3A_44, %mul3A_45 : i32
      %add3A_47 = vector.broadcast %mul3A_46 : i32 to vector<16xi32>
      %add3A_48 = arith.addi %get3A_14, %add3A_47 : vector<16xi32>
      %swap3A_49 = arith.constant 48 : index
      %swap3A_50 = tpu.vector_load %arg12[%swap3A_49] {strides = array<i32>} : memref<128xi32, #tpu.memory_space<vmem>>, vector<16xi32>,
      %swap3A_51 = vector.shape_cast %swap3A_50 : vector<16xi32> to vector<16xi32>
      %swap3A_52 = vector.shape_cast %add3A_48 : vector<16xi32> to vector<16xi32>
      tpu.vector_store %arg12[%swap3A_49], %swap3A_52 {strides = array<i32>} : memref<128xi32, #tpu.memory_space<vmem>>, vector<16xi32>,
      %add3A_53 = arith.constant 4 : i32
      %add3A_54 = arith.addi %mul3A_0, %add3A_53 : i32
      %mul3A_55 = arith.constant 16 : i32
      %mul3A_56 = arith.muli %add3A_54, %mul3A_55 : i32
      %add3A_57 = vector.broadcast %mul3A_56 : i32 to vector<16xi32>
      %add3A_58 = arith.addi %get3A_14, %add3A_57 : vector<16xi32>
      %swap3A_59 = arith.constant 64 : index
      %swap3A_60 = tpu.vector_load %arg12[%swap3A_59] {strides = array<i32>} : memref<128xi32, #tpu.memory_space<vmem>>, vector<16xi32>,
      %swap3A_61 = vector.shape_cast %swap3A_60 : vector<16xi32> to vector<16xi32>
      %swap3A_62 = vector.shape_cast %add3A_58 : vector<16xi32> to vector<16xi32>
      tpu.vector_store %arg12[%swap3A_59], %swap3A_62 {strides = array<i32>} : memref<128xi32, #tpu.memory_space<vmem>>, vector<16xi32>,
      %add3A_63 = arith.constant 5 : i32
      %add3A_64 = arith.addi %mul3A_0, %add3A_63 : i32
      %mul3A_65 = arith.constant 16 : i32
      %mul3A_66 = arith.muli %add3A_64, %mul3A_65 : i32
      %add3A_67 = vector.broadcast %mul3A_66 : i32 to vector<16xi32>
      %add3A_68 = arith.addi %get3A_14, %add3A_67 : vector<16xi32>
      %swap3A_69 = arith.constant 80 : index
      %swap3A_70 = tpu.vector_load %arg12[%swap3A_69] {strides = array<i32>} : memref<128xi32, #tpu.memory_space<vmem>>, vector<16xi32>,
      %swap3A_71 = vector.shape_cast %swap3A_70 : vector<16xi32> to vector<16xi32>
      %swap3A_72 = vector.shape_cast %add3A_68 : vector<16xi32> to vector<16xi32>
      tpu.vector_store %arg12[%swap3A_69], %swap3A_72 {strides = array<i32>} : memref<128xi32, #tpu.memory_space<vmem>>, vector<16xi32>,
      %add3A_73 = arith.constant 6 : i32
      %add3A_74 = arith.addi %mul3A_0, %add3A_73 : i32
      %mul3A_75 = arith.constant 16 : i32
      %mul3A_76 = arith.muli %add3A_74, %mul3A_75 : i32
      %add3A_77 = vector.broadcast %mul3A_76 : i32 to vector<16xi32>
      %add3A_78 = arith.addi %get3A_14, %add3A_77 : vector<16xi32>
      %swap3A_79 = arith.constant 96 : index
      %swap3A_80 = tpu.vector_load %arg12[%swap3A_79] {strides = array<i32>} : memref<128xi32, #tpu.memory_space<vmem>>, vector<16xi32>,
      %swap3A_81 = vector.shape_cast %swap3A_80 : vector<16xi32> to vector<16xi32>
      %swap3A_82 = vector.shape_cast %add3A_78 : vector<16xi32> to vector<16xi32>
      tpu.vector_store %arg12[%swap3A_79], %swap3A_82 {strides = array<i32>} : memref<128xi32, #tpu.memory_space<vmem>>, vector<16xi32>,
      %add3A_83 = arith.constant 7 : i32
      %add3A_84 = arith.addi %mul3A_0, %add3A_83 : i32
      %mul3A_85 = arith.constant 16 : i32
      %mul3A_86 = arith.muli %add3A_84, %mul3A_85 : i32
      %add3A_87 = vector.broadcast %mul3A_86 : i32 to vector<16xi32>
      %add3A_88 = arith.addi %get3A_14, %add3A_87 : vector<16xi32>
      %swap3A_89 = arith.constant 112 : index
      %swap3A_90 = tpu.vector_load %arg12[%swap3A_89] {strides = array<i32>} : memref<128xi32, #tpu.memory_space<vmem>>, vector<16xi32>,
      %swap3A_91 = vector.shape_cast %swap3A_90 : vector<16xi32> to vector<16xi32>
      %swap3A_92 = vector.shape_cast %add3A_88 : vector<16xi32> to vector<16xi32>
      tpu.vector_store %arg12[%swap3A_89], %swap3A_92 {strides = array<i32>} : memref<128xi32, #tpu.memory_space<vmem>>, vector<16xi32>,
      %iota3A = tpu.iota {dimensions = array<i32: 0>} : vector<16xi32>
      %eq3A_93 = arith.cmpi eq, %get3A_14, %iota3A : vector<16xi32>
      %jit3A = arith.constant 1 : i32
      %jit3A_94 = arith.constant 0 : i32
      %broadcast_in_dim3A = vector.broadcast %jit3A : i32 to vector<16xi32>
      %broadcast_in_dim3A_95 = vector.broadcast %jit3A_94 : i32 to vector<16xi32>
      %select_n3A = arith.select %eq3A_93, %broadcast_in_dim3A, %broadcast_in_dim3A_95 : vector<16xi1>, vector<16xi32>
      %add3A_96 = arith.constant 8 : i32
      %add3A_97 = vector.broadcast %add3A_96 : i32 to vector<16xi32>
      %add3A_98 = arith.addi %iota3A, %add3A_97 : vector<16xi32>
      %and3A = arith.constant 15 : i32
      %and3A_99 = vector.broadcast %and3A : i32 to vector<16xi32>
      %and3A_100 = arith.andi %add3A_98, %and3A_99 : vector<16xi32>
      %lt3A = arith.constant 0 : i32
      %lt3A_101 = vector.broadcast %lt3A : i32 to vector<16xi32>
      %lt3A_102 = arith.cmpi slt, %and3A_100, %lt3A_101 : vector<16xi32>
      %add3A_103 = arith.constant 16 : i32
      %add3A_104 = vector.broadcast %add3A_103 : i32 to vector<16xi32>
      %add3A_105 = arith.addi %and3A_100, %add3A_104 : vector<16xi32>
      %select_n3A_106 = arith.select %lt3A_102, %add3A_105, %and3A_100 : vector<16xi1>, vector<16xi32>
      %broadcast_in_dim3A_107 = vector.shape_cast %select_n3A_106 : vector<16xi32> to vector<16x1xi32>
      %gather3A = vector.shape_cast %broadcast_in_dim3A_107 : vector<16x1xi32> to vector<16xi32>
      %gather3A_108 = tpu.dynamic_gather %select_n3A[%gather3A] in [0] : vector<16xi32>, vector<16xi32> -> vector<16xi32>
      %and3A_109 = arith.andi %select_n3A, %gather3A_108 : vector<16xi32>
      %add3A_110 = arith.constant 4 : i32
      %add3A_111 = vector.broadcast %add3A_110 : i32 to vector<16xi32>
      %add3A_112 = arith.addi %iota3A, %add3A_111 : vector<16xi32>
      %and3A_113 = arith.constant 15 : i32
      %and3A_114 = vector.broadcast %and3A_113 : i32 to vector<16xi32>
      %and3A_115 = arith.andi %add3A_112, %and3A_114 : vector<16xi32>
      %lt3A_116 = arith.constant 0 : i32
      %lt3A_117 = vector.broadcast %lt3A_116 : i32 to vector<16xi32>
      %lt3A_118 = arith.cmpi slt, %and3A_115, %lt3A_117 : vector<16xi32>
      %add3A_119 = arith.constant 16 : i32
      %add3A_120 = vector.broadcast %add3A_119 : i32 to vector<16xi32>
      %add3A_121 = arith.addi %and3A_115, %add3A_120 : vector<16xi32>
      %select_n3A_122 = arith.select %lt3A_118, %add3A_121, %and3A_115 : vector<16xi1>, vector<16xi32>
      %broadcast_in_dim3A_123 = vector.shape_cast %select_n3A_122 : vector<16xi32> to vector<16x1xi32>
      %gather3A_124 = vector.shape_cast %broadcast_in_dim3A_123 : vector<16x1xi32> to vector<16xi32>
      %gather3A_125 = tpu.dynamic_gather %and3A_109[%gather3A_124] in [0] : vector<16xi32>, vector<16xi32> -> vector<16xi32>
      %and3A_126 = arith.andi %and3A_109, %gather3A_125 : vector<16xi32>
      %add3A_127 = arith.constant 2 : i32
      %add3A_128 = vector.broadcast %add3A_127 : i32 to vector<16xi32>
      %add3A_129 = arith.addi %iota3A, %add3A_128 : vector<16xi32>
      %and3A_130 = arith.constant 15 : i32
      %and3A_131 = vector.broadcast %and3A_130 : i32 to vector<16xi32>
      %and3A_132 = arith.andi %add3A_129, %and3A_131 : vector<16xi32>
      %lt3A_133 = arith.constant 0 : i32
      %lt3A_134 = vector.broadcast %lt3A_133 : i32 to vector<16xi32>
      %lt3A_135 = arith.cmpi slt, %and3A_132, %lt3A_134 : vector<16xi32>
      %add3A_136 = arith.constant 16 : i32
      %add3A_137 = vector.broadcast %add3A_136 : i32 to vector<16xi32>
      %add3A_138 = arith.addi %and3A_132, %add3A_137 : vector<16xi32>
      %select_n3A_139 = arith.select %lt3A_135, %add3A_138, %and3A_132 : vector<16xi1>, vector<16xi32>
      %broadcast_in_dim3A_140 = vector.shape_cast %select_n3A_139 : vector<16xi32> to vector<16x1xi32>
      %gather3A_141 = vector.shape_cast %broadcast_in_dim3A_140 : vector<16x1xi32> to vector<16xi32>
      %gather3A_142 = tpu.dynamic_gather %and3A_126[%gather3A_141] in [0] : vector<16xi32>, vector<16xi32> -> vector<16xi32>
      %and3A_143 = arith.andi %and3A_126, %gather3A_142 : vector<16xi32>
      %add3A_144 = arith.constant 1 : i32
      %add3A_145 = vector.broadcast %add3A_144 : i32 to vector<16xi32>
      %add3A_146 = arith.addi %iota3A, %add3A_145 : vector<16xi32>
      %and3A_147 = arith.constant 15 : i32
      %and3A_148 = vector.broadcast %and3A_147 : i32 to vector<16xi32>
      %and3A_149 = arith.andi %add3A_146, %and3A_148 : vector<16xi32>
      %lt3A_150 = arith.constant 0 : i32
      %lt3A_151 = vector.broadcast %lt3A_150 : i32 to vector<16xi32>
      %lt3A_152 = arith.cmpi slt, %and3A_149, %lt3A_151 : vector<16xi32>
      %add3A_153 = arith.constant 16 : i32
      %add3A_154 = vector.broadcast %add3A_153 : i32 to vector<16xi32>
      %add3A_155 = arith.addi %and3A_149, %add3A_154 : vector<16xi32>
      %select_n3A_156 = arith.select %lt3A_152, %add3A_155, %and3A_149 : vector<16xi1>, vector<16xi32>
      %broadcast_in_dim3A_157 = vector.shape_cast %select_n3A_156 : vector<16xi32> to vector<16x1xi32>
      %gather3A_158 = vector.shape_cast %broadcast_in_dim3A_157 : vector<16x1xi32> to vector<16xi32>
      %gather3A_159 = tpu.dynamic_gather %and3A_143[%gather3A_158] in [0] : vector<16xi32>, vector<16xi32> -> vector<16xi32>
      %and3A_160 = arith.andi %and3A_143, %gather3A_159 : vector<16xi32>
      %slice3A = vector.extract_strided_slice %and3A_160 {offsets = [0], sizes = [1], strides = [1]} : vector<16xi32> to vector<1xi32>
      %squeeze3A = vector.extract %slice3A[0] : i32 from vector<1xi32>
      %eq3A_161 = arith.constant 1 : i32
      %eq3A_162 = arith.cmpi eq, %squeeze3A, %eq3A_161 : i32
      %not3A = arith.constant true
      %not3A_163 = arith.xori %eq3A_162, %not3A : i1
      %convert_element_type3A_164 = arith.extui %not3A_163 : i1 to i32
      %cond3A_165 = arith.constant 0 : i32
      %cond3A_166 = arith.cmpi ne, %convert_element_type3A_164, %cond3A_165 : i32
      scf.if %cond3A_166 {
        %add3A_176 = arith.constant 0 : i32
        %add3A_177 = arith.addi %mul3A_0, %add3A_176 : i32
        %dma_start3A_178 = arith.constant 0 : i32
        %dma_start3A_179 = arith.constant 0 : i32
        %dma_start3A_180 = tpu.memref_slice %arg9[%dma_start3A_178, %dma_start3A_179] : memref<128x128xf32, #tpu.memory_space<vmem>> -> memref<16x128xf32, #tpu.memory_space<vmem>>
        %dma_start3A_181 = arith.constant 0 : i32
        %dma_start3A_182 = arith.constant 0 : i32
        %dma_start3A_183 = tpu.memref_slice %arg6[%add3A_177, %dma_start3A_181, %dma_start3A_182] : memref<128x4096x128xf32, #tpu.memory_space<hbm>> -> memref<1x16x128xf32, #tpu.memory_space<hbm>>
        %dma_start3A_184 = tpu.memref_squeeze %dma_start3A_183 : memref<1x16x128xf32, #tpu.memory_space<hbm>> -> memref<16x128xf32, #tpu.memory_space<hbm>>
        %dma_start3A_185 = arith.constant 0 : i32
        %dma_start3A_186 = arith.constant 0 : i32
        %dma_start3A_187 = tpu.memref_slice %arg9[%dma_start3A_185, %dma_start3A_186] : memref<128x128xf32, #tpu.memory_space<vmem>> -> memref<16x128xf32, #tpu.memory_space<vmem>>
        %dma_start3A_188 = arith.constant 0 : i32
        %dma_start3A_189 = arith.constant 0 : i32
        %dma_start3A_190 = tpu.memref_slice %arg6[%add3A_177, %dma_start3A_188, %dma_start3A_189] : memref<128x4096x128xf32, #tpu.memory_space<hbm>> -> memref<1x16x128xf32, #tpu.memory_space<hbm>>
        %dma_start3A_191 = tpu.memref_squeeze %dma_start3A_190 : memref<1x16x128xf32, #tpu.memory_space<hbm>> -> memref<16x128xf32, #tpu.memory_space<hbm>>
        tpu.enqueue_dma source(%dma_start3A_191 : memref<16x128xf32, #tpu.memory_space<hbm>>) target(%dma_start3A_187 : memref<16x128xf32, #tpu.memory_space<vmem>>) target_semaphore(%arg13 : memref<!tpu.dma_semaphore, #tpu.memory_space<semaphore_mem>>)
        %add3A_192 = arith.constant 1 : i32
        %add3A_193 = arith.addi %mul3A_0, %add3A_192 : i32
        %dma_start3A_194 = arith.constant 16 : i32
        %dma_start3A_195 = arith.constant 0 : i32
        %dma_start3A_196 = tpu.memref_slice %arg9[%dma_start3A_194, %dma_start3A_195] : memref<128x128xf32, #tpu.memory_space<vmem>> -> memref<16x128xf32, #tpu.memory_space<vmem>>
        %dma_start3A_197 = arith.constant 0 : i32
        %dma_start3A_198 = arith.constant 0 : i32
        %dma_start3A_199 = tpu.memref_slice %arg6[%add3A_193, %dma_start3A_197, %dma_start3A_198] : memref<128x4096x128xf32, #tpu.memory_space<hbm>> -> memref<1x16x128xf32, #tpu.memory_space<hbm>>
        %dma_start3A_200 = tpu.memref_squeeze %dma_start3A_199 : memref<1x16x128xf32, #tpu.memory_space<hbm>> -> memref<16x128xf32, #tpu.memory_space<hbm>>
        %dma_start3A_201 = arith.constant 16 : i32
        %dma_start3A_202 = arith.constant 0 : i32
        %dma_start3A_203 = tpu.memref_slice %arg9[%dma_start3A_201, %dma_start3A_202] : memref<128x128xf32, #tpu.memory_space<vmem>> -> memref<16x128xf32, #tpu.memory_space<vmem>>
        %dma_start3A_204 = arith.constant 0 : i32
        %dma_start3A_205 = arith.constant 0 : i32
        %dma_start3A_206 = tpu.memref_slice %arg6[%add3A_193, %dma_start3A_204, %dma_start3A_205] : memref<128x4096x128xf32, #tpu.memory_space<hbm>> -> memref<1x16x128xf32, #tpu.memory_space<hbm>>
        %dma_start3A_207 = tpu.memref_squeeze %dma_start3A_206 : memref<1x16x128xf32, #tpu.memory_space<hbm>> -> memref<16x128xf32, #tpu.memory_space<hbm>>
        tpu.enqueue_dma source(%dma_start3A_207 : memref<16x128xf32, #tpu.memory_space<hbm>>) target(%dma_start3A_203 : memref<16x128xf32, #tpu.memory_space<vmem>>) target_semaphore(%arg13 : memref<!tpu.dma_semaphore, #tpu.memory_space<semaphore_mem>>)
        %add3A_208 = arith.constant 2 : i32
        %add3A_209 = arith.addi %mul3A_0, %add3A_208 : i32
        %dma_start3A_210 = arith.constant 32 : i32
        %dma_start3A_211 = arith.constant 0 : i32
        %dma_start3A_212 = tpu.memref_slice %arg9[%dma_start3A_210, %dma_start3A_211] : memref<128x128xf32, #tpu.memory_space<vmem>> -> memref<16x128xf32, #tpu.memory_space<vmem>>
        %dma_start3A_213 = arith.constant 0 : i32
        %dma_start3A_214 = arith.constant 0 : i32
        %dma_start3A_215 = tpu.memref_slice %arg6[%add3A_209, %dma_start3A_213, %dma_start3A_214] : memref<128x4096x128xf32, #tpu.memory_space<hbm>> -> memref<1x16x128xf32, #tpu.memory_space<hbm>>
        %dma_start3A_216 = tpu.memref_squeeze %dma_start3A_215 : memref<1x16x128xf32, #tpu.memory_space<hbm>> -> memref<16x128xf32, #tpu.memory_space<hbm>>
        %dma_start3A_217 = arith.constant 32 : i32
        %dma_start3A_218 = arith.constant 0 : i32
        %dma_start3A_219 = tpu.memref_slice %arg9[%dma_start3A_217, %dma_start3A_218] : memref<128x128xf32, #tpu.memory_space<vmem>> -> memref<16x128xf32, #tpu.memory_space<vmem>>
        %dma_start3A_220 = arith.constant 0 : i32
        %dma_start3A_221 = arith.constant 0 : i32
        %dma_start3A_222 = tpu.memref_slice %arg6[%add3A_209, %dma_start3A_220, %dma_start3A_221] : memref<128x4096x128xf32, #tpu.memory_space<hbm>> -> memref<1x16x128xf32, #tpu.memory_space<hbm>>
        %dma_start3A_223 = tpu.memref_squeeze %dma_start3A_222 : memref<1x16x128xf32, #tpu.memory_space<hbm>> -> memref<16x128xf32, #tpu.memory_space<hbm>>
        tpu.enqueue_dma source(%dma_start3A_223 : memref<16x128xf32, #tpu.memory_space<hbm>>) target(%dma_start3A_219 : memref<16x128xf32, #tpu.memory_space<vmem>>) target_semaphore(%arg13 : memref<!tpu.dma_semaphore, #tpu.memory_space<semaphore_mem>>)
        %add3A_224 = arith.constant 3 : i32
        %add3A_225 = arith.addi %mul3A_0, %add3A_224 : i32
        %dma_start3A_226 = arith.constant 48 : i32
        %dma_start3A_227 = arith.constant 0 : i32
        %dma_start3A_228 = tpu.memref_slice %arg9[%dma_start3A_226, %dma_start3A_227] : memref<128x128xf32, #tpu.memory_space<vmem>> -> memref<16x128xf32, #tpu.memory_space<vmem>>
        %dma_start3A_229 = arith.constant 0 : i32
        %dma_start3A_230 = arith.constant 0 : i32
        %dma_start3A_231 = tpu.memref_slice %arg6[%add3A_225, %dma_start3A_229, %dma_start3A_230] : memref<128x4096x128xf32, #tpu.memory_space<hbm>> -> memref<1x16x128xf32, #tpu.memory_space<hbm>>
        %dma_start3A_232 = tpu.memref_squeeze %dma_start3A_231 : memref<1x16x128xf32, #tpu.memory_space<hbm>> -> memref<16x128xf32, #tpu.memory_space<hbm>>
        %dma_start3A_233 = arith.constant 48 : i32
        %dma_start3A_234 = arith.constant 0 : i32
        %dma_start3A_235 = tpu.memref_slice %arg9[%dma_start3A_233, %dma_start3A_234] : memref<128x128xf32, #tpu.memory_space<vmem>> -> memref<16x128xf32, #tpu.memory_space<vmem>>
        %dma_start3A_236 = arith.constant 0 : i32
        %dma_start3A_237 = arith.constant 0 : i32
        %dma_start3A_238 = tpu.memref_slice %arg6[%add3A_225, %dma_start3A_236, %dma_start3A_237] : memref<128x4096x128xf32, #tpu.memory_space<hbm>> -> memref<1x16x128xf32, #tpu.memory_space<hbm>>
        %dma_start3A_239 = tpu.memref_squeeze %dma_start3A_238 : memref<1x16x128xf32, #tpu.memory_space<hbm>> -> memref<16x128xf32, #tpu.memory_space<hbm>>
        tpu.enqueue_dma source(%dma_start3A_239 : memref<16x128xf32, #tpu.memory_space<hbm>>) target(%dma_start3A_235 : memref<16x128xf32, #tpu.memory_space<vmem>>) target_semaphore(%arg13 : memref<!tpu.dma_semaphore, #tpu.memory_space<semaphore_mem>>)
        %add3A_240 = arith.constant 4 : i32
        %add3A_241 = arith.addi %mul3A_0, %add3A_240 : i32
        %dma_start3A_242 = arith.constant 64 : i32
        %dma_start3A_243 = arith.constant 0 : i32
        %dma_start3A_244 = tpu.memref_slice %arg9[%dma_start3A_242, %dma_start3A_243] : memref<128x128xf32, #tpu.memory_space<vmem>> -> memref<16x128xf32, #tpu.memory_space<vmem>>
        %dma_start3A_245 = arith.constant 0 : i32
        %dma_start3A_246 = arith.constant 0 : i32
        %dma_start3A_247 = tpu.memref_slice %arg6[%add3A_241, %dma_start3A_245, %dma_start3A_246] : memref<128x4096x128xf32, #tpu.memory_space<hbm>> -> memref<1x16x128xf32, #tpu.memory_space<hbm>>
        %dma_start3A_248 = tpu.memref_squeeze %dma_start3A_247 : memref<1x16x128xf32, #tpu.memory_space<hbm>> -> memref<16x128xf32, #tpu.memory_space<hbm>>
        %dma_start3A_249 = arith.constant 64 : i32
        %dma_start3A_250 = arith.constant 0 : i32
        %dma_start3A_251 = tpu.memref_slice %arg9[%dma_start3A_249, %dma_start3A_250] : memref<128x128xf32, #tpu.memory_space<vmem>> -> memref<16x128xf32, #tpu.memory_space<vmem>>
        %dma_start3A_252 = arith.constant 0 : i32
        %dma_start3A_253 = arith.constant 0 : i32
        %dma_start3A_254 = tpu.memref_slice %arg6[%add3A_241, %dma_start3A_252, %dma_start3A_253] : memref<128x4096x128xf32, #tpu.memory_space<hbm>> -> memref<1x16x128xf32, #tpu.memory_space<hbm>>
        %dma_start3A_255 = tpu.memref_squeeze %dma_start3A_254 : memref<1x16x128xf32, #tpu.memory_space<hbm>> -> memref<16x128xf32, #tpu.memory_space<hbm>>
        tpu.enqueue_dma source(%dma_start3A_255 : memref<16x128xf32, #tpu.memory_space<hbm>>) target(%dma_start3A_251 : memref<16x128xf32, #tpu.memory_space<vmem>>) target_semaphore(%arg13 : memref<!tpu.dma_semaphore, #tpu.memory_space<semaphore_mem>>)
        %add3A_256 = arith.constant 5 : i32
        %add3A_257 = arith.addi %mul3A_0, %add3A_256 : i32
        %dma_start3A_258 = arith.constant 80 : i32
        %dma_start3A_259 = arith.constant 0 : i32
        %dma_start3A_260 = tpu.memref_slice %arg9[%dma_start3A_258, %dma_start3A_259] : memref<128x128xf32, #tpu.memory_space<vmem>> -> memref<16x128xf32, #tpu.memory_space<vmem>>
        %dma_start3A_261 = arith.constant 0 : i32
        %dma_start3A_262 = arith.constant 0 : i32
        %dma_start3A_263 = tpu.memref_slice %arg6[%add3A_257, %dma_start3A_261, %dma_start3A_262] : memref<128x4096x128xf32, #tpu.memory_space<hbm>> -> memref<1x16x128xf32, #tpu.memory_space<hbm>>
        %dma_start3A_264 = tpu.memref_squeeze %dma_start3A_263 : memref<1x16x128xf32, #tpu.memory_space<hbm>> -> memref<16x128xf32, #tpu.memory_space<hbm>>
        %dma_start3A_265 = arith.constant 80 : i32
        %dma_start3A_266 = arith.constant 0 : i32
        %dma_start3A_267 = tpu.memref_slice %arg9[%dma_start3A_265, %dma_start3A_266] : memref<128x128xf32, #tpu.memory_space<vmem>> -> memref<16x128xf32, #tpu.memory_space<vmem>>
        %dma_start3A_268 = arith.constant 0 : i32
        %dma_start3A_269 = arith.constant 0 : i32
        %dma_start3A_270 = tpu.memref_slice %arg6[%add3A_257, %dma_start3A_268, %dma_start3A_269] : memref<128x4096x128xf32, #tpu.memory_space<hbm>> -> memref<1x16x128xf32, #tpu.memory_space<hbm>>
        %dma_start3A_271 = tpu.memref_squeeze %dma_start3A_270 : memref<1x16x128xf32, #tpu.memory_space<hbm>> -> memref<16x128xf32, #tpu.memory_space<hbm>>
        tpu.enqueue_dma source(%dma_start3A_271 : memref<16x128xf32, #tpu.memory_space<hbm>>) target(%dma_start3A_267 : memref<16x128xf32, #tpu.memory_space<vmem>>) target_semaphore(%arg13 : memref<!tpu.dma_semaphore, #tpu.memory_space<semaphore_mem>>)
        %add3A_272 = arith.constant 6 : i32
        %add3A_273 = arith.addi %mul3A_0, %add3A_272 : i32
        %dma_start3A_274 = arith.constant 96 : i32
        %dma_start3A_275 = arith.constant 0 : i32
        %dma_start3A_276 = tpu.memref_slice %arg9[%dma_start3A_274, %dma_start3A_275] : memref<128x128xf32, #tpu.memory_space<vmem>> -> memref<16x128xf32, #tpu.memory_space<vmem>>
        %dma_start3A_277 = arith.constant 0 : i32
        %dma_start3A_278 = arith.constant 0 : i32
        %dma_start3A_279 = tpu.memref_slice %arg6[%add3A_273, %dma_start3A_277, %dma_start3A_278] : memref<128x4096x128xf32, #tpu.memory_space<hbm>> -> memref<1x16x128xf32, #tpu.memory_space<hbm>>
        %dma_start3A_280 = tpu.memref_squeeze %dma_start3A_279 : memref<1x16x128xf32, #tpu.memory_space<hbm>> -> memref<16x128xf32, #tpu.memory_space<hbm>>
        %dma_start3A_281 = arith.constant 96 : i32
        %dma_start3A_282 = arith.constant 0 : i32
        %dma_start3A_283 = tpu.memref_slice %arg9[%dma_start3A_281, %dma_start3A_282] : memref<128x128xf32, #tpu.memory_space<vmem>> -> memref<16x128xf32, #tpu.memory_space<vmem>>
        %dma_start3A_284 = arith.constant 0 : i32
        %dma_start3A_285 = arith.constant 0 : i32
        %dma_start3A_286 = tpu.memref_slice %arg6[%add3A_273, %dma_start3A_284, %dma_start3A_285] : memref<128x4096x128xf32, #tpu.memory_space<hbm>> -> memref<1x16x128xf32, #tpu.memory_space<hbm>>
        %dma_start3A_287 = tpu.memref_squeeze %dma_start3A_286 : memref<1x16x128xf32, #tpu.memory_space<hbm>> -> memref<16x128xf32, #tpu.memory_space<hbm>>
        tpu.enqueue_dma source(%dma_start3A_287 : memref<16x128xf32, #tpu.memory_space<hbm>>) target(%dma_start3A_283 : memref<16x128xf32, #tpu.memory_space<vmem>>) target_semaphore(%arg13 : memref<!tpu.dma_semaphore, #tpu.memory_space<semaphore_mem>>)
        %add3A_288 = arith.constant 7 : i32
        %add3A_289 = arith.addi %mul3A_0, %add3A_288 : i32
        %dma_start3A_290 = arith.constant 112 : i32
        %dma_start3A_291 = arith.constant 0 : i32
        %dma_start3A_292 = tpu.memref_slice %arg9[%dma_start3A_290, %dma_start3A_291] : memref<128x128xf32, #tpu.memory_space<vmem>> -> memref<16x128xf32, #tpu.memory_space<vmem>>
        %dma_start3A_293 = arith.constant 0 : i32
        %dma_start3A_294 = arith.constant 0 : i32
        %dma_start3A_295 = tpu.memref_slice %arg6[%add3A_289, %dma_start3A_293, %dma_start3A_294] : memref<128x4096x128xf32, #tpu.memory_space<hbm>> -> memref<1x16x128xf32, #tpu.memory_space<hbm>>
        %dma_start3A_296 = tpu.memref_squeeze %dma_start3A_295 : memref<1x16x128xf32, #tpu.memory_space<hbm>> -> memref<16x128xf32, #tpu.memory_space<hbm>>
        %dma_start3A_297 = arith.constant 112 : i32
        %dma_start3A_298 = arith.constant 0 : i32
        %dma_start3A_299 = tpu.memref_slice %arg9[%dma_start3A_297, %dma_start3A_298] : memref<128x128xf32, #tpu.memory_space<vmem>> -> memref<16x128xf32, #tpu.memory_space<vmem>>
        %dma_start3A_300 = arith.constant 0 : i32
        %dma_start3A_301 = arith.constant 0 : i32
        %dma_start3A_302 = tpu.memref_slice %arg6[%add3A_289, %dma_start3A_300, %dma_start3A_301] : memref<128x4096x128xf32, #tpu.memory_space<hbm>> -> memref<1x16x128xf32, #tpu.memory_space<hbm>>
        %dma_start3A_303 = tpu.memref_squeeze %dma_start3A_302 : memref<1x16x128xf32, #tpu.memory_space<hbm>> -> memref<16x128xf32, #tpu.memory_space<hbm>>
        tpu.enqueue_dma source(%dma_start3A_303 : memref<16x128xf32, #tpu.memory_space<hbm>>) target(%dma_start3A_299 : memref<16x128xf32, #tpu.memory_space<vmem>>) target_semaphore(%arg13 : memref<!tpu.dma_semaphore, #tpu.memory_space<semaphore_mem>>)
        %dma_wait3A_304 = arith.constant 0 : i32
        %dma_wait3A_305 = arith.constant 0 : i32
        %dma_wait3A_306 = tpu.memref_slice %arg9[%dma_wait3A_304, %dma_wait3A_305] : memref<128x128xf32, #tpu.memory_space<vmem>> -> memref<16x128xf32, #tpu.memory_space<vmem>>
        %dma_wait3A_307 = arith.constant 0 : i32
        %dma_wait3A_308 = arith.constant 0 : i32
        %dma_wait3A_309 = tpu.memref_slice %arg6[%add3A_177, %dma_wait3A_307, %dma_wait3A_308] : memref<128x4096x128xf32, #tpu.memory_space<hbm>> -> memref<1x16x128xf32, #tpu.memory_space<hbm>>
        %dma_wait3A_310 = tpu.memref_squeeze %dma_wait3A_309 : memref<1x16x128xf32, #tpu.memory_space<hbm>> -> memref<16x128xf32, #tpu.memory_space<hbm>>
        %dma_wait3A_311 = arith.constant 0 : i32
        %dma_wait3A_312 = arith.constant 0 : i32
        %dma_wait3A_313 = tpu.memref_slice %arg9[%dma_wait3A_311, %dma_wait3A_312] : memref<128x128xf32, #tpu.memory_space<vmem>> -> memref<16x128xf32, #tpu.memory_space<vmem>>
        %dma_wait3A_314 = arith.constant 0 : i32
        %dma_wait3A_315 = arith.constant 0 : i32
        %dma_wait3A_316 = tpu.memref_slice %arg6[%add3A_177, %dma_wait3A_314, %dma_wait3A_315] : memref<128x4096x128xf32, #tpu.memory_space<hbm>> -> memref<1x16x128xf32, #tpu.memory_space<hbm>>
        %dma_wait3A_317 = tpu.memref_squeeze %dma_wait3A_316 : memref<1x16x128xf32, #tpu.memory_space<hbm>> -> memref<16x128xf32, #tpu.memory_space<hbm>>
        tpu.wait_dma2 semaphore(%arg13 : memref<!tpu.dma_semaphore, #tpu.memory_space<semaphore_mem>>) src(%dma_wait3A_317 : memref<16x128xf32, #tpu.memory_space<hbm>>) dst(%dma_wait3A_313 : memref<16x128xf32, #tpu.memory_space<vmem>>)
        %dma_wait3A_318 = arith.constant 16 : i32
        %dma_wait3A_319 = arith.constant 0 : i32
        %dma_wait3A_320 = tpu.memref_slice %arg9[%dma_wait3A_318, %dma_wait3A_319] : memref<128x128xf32, #tpu.memory_space<vmem>> -> memref<16x128xf32, #tpu.memory_space<vmem>>
        %dma_wait3A_321 = arith.constant 0 : i32
        %dma_wait3A_322 = arith.constant 0 : i32
        %dma_wait3A_323 = tpu.memref_slice %arg6[%add3A_193, %dma_wait3A_321, %dma_wait3A_322] : memref<128x4096x128xf32, #tpu.memory_space<hbm>> -> memref<1x16x128xf32, #tpu.memory_space<hbm>>
        %dma_wait3A_324 = tpu.memref_squeeze %dma_wait3A_323 : memref<1x16x128xf32, #tpu.memory_space<hbm>> -> memref<16x128xf32, #tpu.memory_space<hbm>>
        %dma_wait3A_325 = arith.constant 16 : i32
        %dma_wait3A_326 = arith.constant 0 : i32
        %dma_wait3A_327 = tpu.memref_slice %arg9[%dma_wait3A_325, %dma_wait3A_326] : memref<128x128xf32, #tpu.memory_space<vmem>> -> memref<16x128xf32, #tpu.memory_space<vmem>>
        %dma_wait3A_328 = arith.constant 0 : i32
        %dma_wait3A_329 = arith.constant 0 : i32
        %dma_wait3A_330 = tpu.memref_slice %arg6[%add3A_193, %dma_wait3A_328, %dma_wait3A_329] : memref<128x4096x128xf32, #tpu.memory_space<hbm>> -> memref<1x16x128xf32, #tpu.memory_space<hbm>>
        %dma_wait3A_331 = tpu.memref_squeeze %dma_wait3A_330 : memref<1x16x128xf32, #tpu.memory_space<hbm>> -> memref<16x128xf32, #tpu.memory_space<hbm>>
        tpu.wait_dma2 semaphore(%arg13 : memref<!tpu.dma_semaphore, #tpu.memory_space<semaphore_mem>>) src(%dma_wait3A_331 : memref<16x128xf32, #tpu.memory_space<hbm>>) dst(%dma_wait3A_327 : memref<16x128xf32, #tpu.memory_space<vmem>>)
        %dma_wait3A_332 = arith.constant 32 : i32
        %dma_wait3A_333 = arith.constant 0 : i32
        %dma_wait3A_334 = tpu.memref_slice %arg9[%dma_wait3A_332, %dma_wait3A_333] : memref<128x128xf32, #tpu.memory_space<vmem>> -> memref<16x128xf32, #tpu.memory_space<vmem>>
        %dma_wait3A_335 = arith.constant 0 : i32
        %dma_wait3A_336 = arith.constant 0 : i32
        %dma_wait3A_337 = tpu.memref_slice %arg6[%add3A_209, %dma_wait3A_335, %dma_wait3A_336] : memref<128x4096x128xf32, #tpu.memory_space<hbm>> -> memref<1x16x128xf32, #tpu.memory_space<hbm>>
        %dma_wait3A_338 = tpu.memref_squeeze %dma_wait3A_337 : memref<1x16x128xf32, #tpu.memory_space<hbm>> -> memref<16x128xf32, #tpu.memory_space<hbm>>
        %dma_wait3A_339 = arith.constant 32 : i32
        %dma_wait3A_340 = arith.constant 0 : i32
        %dma_wait3A_341 = tpu.memref_slice %arg9[%dma_wait3A_339, %dma_wait3A_340] : memref<128x128xf32, #tpu.memory_space<vmem>> -> memref<16x128xf32, #tpu.memory_space<vmem>>
        %dma_wait3A_342 = arith.constant 0 : i32
        %dma_wait3A_343 = arith.constant 0 : i32
        %dma_wait3A_344 = tpu.memref_slice %arg6[%add3A_209, %dma_wait3A_342, %dma_wait3A_343] : memref<128x4096x128xf32, #tpu.memory_space<hbm>> -> memref<1x16x128xf32, #tpu.memory_space<hbm>>
        %dma_wait3A_345 = tpu.memref_squeeze %dma_wait3A_344 : memref<1x16x128xf32, #tpu.memory_space<hbm>> -> memref<16x128xf32, #tpu.memory_space<hbm>>
        tpu.wait_dma2 semaphore(%arg13 : memref<!tpu.dma_semaphore, #tpu.memory_space<semaphore_mem>>) src(%dma_wait3A_345 : memref<16x128xf32, #tpu.memory_space<hbm>>) dst(%dma_wait3A_341 : memref<16x128xf32, #tpu.memory_space<vmem>>)
        %dma_wait3A_346 = arith.constant 48 : i32
        %dma_wait3A_347 = arith.constant 0 : i32
        %dma_wait3A_348 = tpu.memref_slice %arg9[%dma_wait3A_346, %dma_wait3A_347] : memref<128x128xf32, #tpu.memory_space<vmem>> -> memref<16x128xf32, #tpu.memory_space<vmem>>
        %dma_wait3A_349 = arith.constant 0 : i32
        %dma_wait3A_350 = arith.constant 0 : i32
        %dma_wait3A_351 = tpu.memref_slice %arg6[%add3A_225, %dma_wait3A_349, %dma_wait3A_350] : memref<128x4096x128xf32, #tpu.memory_space<hbm>> -> memref<1x16x128xf32, #tpu.memory_space<hbm>>
        %dma_wait3A_352 = tpu.memref_squeeze %dma_wait3A_351 : memref<1x16x128xf32, #tpu.memory_space<hbm>> -> memref<16x128xf32, #tpu.memory_space<hbm>>
        %dma_wait3A_353 = arith.constant 48 : i32
        %dma_wait3A_354 = arith.constant 0 : i32
        %dma_wait3A_355 = tpu.memref_slice %arg9[%dma_wait3A_353, %dma_wait3A_354] : memref<128x128xf32, #tpu.memory_space<vmem>> -> memref<16x128xf32, #tpu.memory_space<vmem>>
        %dma_wait3A_356 = arith.constant 0 : i32
        %dma_wait3A_357 = arith.constant 0 : i32
        %dma_wait3A_358 = tpu.memref_slice %arg6[%add3A_225, %dma_wait3A_356, %dma_wait3A_357] : memref<128x4096x128xf32, #tpu.memory_space<hbm>> -> memref<1x16x128xf32, #tpu.memory_space<hbm>>
        %dma_wait3A_359 = tpu.memref_squeeze %dma_wait3A_358 : memref<1x16x128xf32, #tpu.memory_space<hbm>> -> memref<16x128xf32, #tpu.memory_space<hbm>>
        tpu.wait_dma2 semaphore(%arg13 : memref<!tpu.dma_semaphore, #tpu.memory_space<semaphore_mem>>) src(%dma_wait3A_359 : memref<16x128xf32, #tpu.memory_space<hbm>>) dst(%dma_wait3A_355 : memref<16x128xf32, #tpu.memory_space<vmem>>)
        %dma_wait3A_360 = arith.constant 64 : i32
        %dma_wait3A_361 = arith.constant 0 : i32
        %dma_wait3A_362 = tpu.memref_slice %arg9[%dma_wait3A_360, %dma_wait3A_361] : memref<128x128xf32, #tpu.memory_space<vmem>> -> memref<16x128xf32, #tpu.memory_space<vmem>>
        %dma_wait3A_363 = arith.constant 0 : i32
        %dma_wait3A_364 = arith.constant 0 : i32
        %dma_wait3A_365 = tpu.memref_slice %arg6[%add3A_241, %dma_wait3A_363, %dma_wait3A_364] : memref<128x4096x128xf32, #tpu.memory_space<hbm>> -> memref<1x16x128xf32, #tpu.memory_space<hbm>>
        %dma_wait3A_366 = tpu.memref_squeeze %dma_wait3A_365 : memref<1x16x128xf32, #tpu.memory_space<hbm>> -> memref<16x128xf32, #tpu.memory_space<hbm>>
        %dma_wait3A_367 = arith.constant 64 : i32
        %dma_wait3A_368 = arith.constant 0 : i32
        %dma_wait3A_369 = tpu.memref_slice %arg9[%dma_wait3A_367, %dma_wait3A_368] : memref<128x128xf32, #tpu.memory_space<vmem>> -> memref<16x128xf32, #tpu.memory_space<vmem>>
        %dma_wait3A_370 = arith.constant 0 : i32
        %dma_wait3A_371 = arith.constant 0 : i32
        %dma_wait3A_372 = tpu.memref_slice %arg6[%add3A_241, %dma_wait3A_370, %dma_wait3A_371] : memref<128x4096x128xf32, #tpu.memory_space<hbm>> -> memref<1x16x128xf32, #tpu.memory_space<hbm>>
        %dma_wait3A_373 = tpu.memref_squeeze %dma_wait3A_372 : memref<1x16x128xf32, #tpu.memory_space<hbm>> -> memref<16x128xf32, #tpu.memory_space<hbm>>
        tpu.wait_dma2 semaphore(%arg13 : memref<!tpu.dma_semaphore, #tpu.memory_space<semaphore_mem>>) src(%dma_wait3A_373 : memref<16x128xf32, #tpu.memory_space<hbm>>) dst(%dma_wait3A_369 : memref<16x128xf32, #tpu.memory_space<vmem>>)
        %dma_wait3A_374 = arith.constant 80 : i32
        %dma_wait3A_375 = arith.constant 0 : i32
        %dma_wait3A_376 = tpu.memref_slice %arg9[%dma_wait3A_374, %dma_wait3A_375] : memref<128x128xf32, #tpu.memory_space<vmem>> -> memref<16x128xf32, #tpu.memory_space<vmem>>
        %dma_wait3A_377 = arith.constant 0 : i32
        %dma_wait3A_378 = arith.constant 0 : i32
        %dma_wait3A_379 = tpu.memref_slice %arg6[%add3A_257, %dma_wait3A_377, %dma_wait3A_378] : memref<128x4096x128xf32, #tpu.memory_space<hbm>> -> memref<1x16x128xf32, #tpu.memory_space<hbm>>
        %dma_wait3A_380 = tpu.memref_squeeze %dma_wait3A_379 : memref<1x16x128xf32, #tpu.memory_space<hbm>> -> memref<16x128xf32, #tpu.memory_space<hbm>>
        %dma_wait3A_381 = arith.constant 80 : i32
        %dma_wait3A_382 = arith.constant 0 : i32
        %dma_wait3A_383 = tpu.memref_slice %arg9[%dma_wait3A_381, %dma_wait3A_382] : memref<128x128xf32, #tpu.memory_space<vmem>> -> memref<16x128xf32, #tpu.memory_space<vmem>>
        %dma_wait3A_384 = arith.constant 0 : i32
        %dma_wait3A_385 = arith.constant 0 : i32
        %dma_wait3A_386 = tpu.memref_slice %arg6[%add3A_257, %dma_wait3A_384, %dma_wait3A_385] : memref<128x4096x128xf32, #tpu.memory_space<hbm>> -> memref<1x16x128xf32, #tpu.memory_space<hbm>>
        %dma_wait3A_387 = tpu.memref_squeeze %dma_wait3A_386 : memref<1x16x128xf32, #tpu.memory_space<hbm>> -> memref<16x128xf32, #tpu.memory_space<hbm>>
        tpu.wait_dma2 semaphore(%arg13 : memref<!tpu.dma_semaphore, #tpu.memory_space<semaphore_mem>>) src(%dma_wait3A_387 : memref<16x128xf32, #tpu.memory_space<hbm>>) dst(%dma_wait3A_383 : memref<16x128xf32, #tpu.memory_space<vmem>>)
        %dma_wait3A_388 = arith.constant 96 : i32
        %dma_wait3A_389 = arith.constant 0 : i32
        %dma_wait3A_390 = tpu.memref_slice %arg9[%dma_wait3A_388, %dma_wait3A_389] : memref<128x128xf32, #tpu.memory_space<vmem>> -> memref<16x128xf32, #tpu.memory_space<vmem>>
        %dma_wait3A_391 = arith.constant 0 : i32
        %dma_wait3A_392 = arith.constant 0 : i32
        %dma_wait3A_393 = tpu.memref_slice %arg6[%add3A_273, %dma_wait3A_391, %dma_wait3A_392] : memref<128x4096x128xf32, #tpu.memory_space<hbm>> -> memref<1x16x128xf32, #tpu.memory_space<hbm>>
        %dma_wait3A_394 = tpu.memref_squeeze %dma_wait3A_393 : memref<1x16x128xf32, #tpu.memory_space<hbm>> -> memref<16x128xf32, #tpu.memory_space<hbm>>
        %dma_wait3A_395 = arith.constant 96 : i32
        %dma_wait3A_396 = arith.constant 0 : i32
        %dma_wait3A_397 = tpu.memref_slice %arg9[%dma_wait3A_395, %dma_wait3A_396] : memref<128x128xf32, #tpu.memory_space<vmem>> -> memref<16x128xf32, #tpu.memory_space<vmem>>
        %dma_wait3A_398 = arith.constant 0 : i32
        %dma_wait3A_399 = arith.constant 0 : i32
        %dma_wait3A_400 = tpu.memref_slice %arg6[%add3A_273, %dma_wait3A_398, %dma_wait3A_399] : memref<128x4096x128xf32, #tpu.memory_space<hbm>> -> memref<1x16x128xf32, #tpu.memory_space<hbm>>
        %dma_wait3A_401 = tpu.memref_squeeze %dma_wait3A_400 : memref<1x16x128xf32, #tpu.memory_space<hbm>> -> memref<16x128xf32, #tpu.memory_space<hbm>>
        tpu.wait_dma2 semaphore(%arg13 : memref<!tpu.dma_semaphore, #tpu.memory_space<semaphore_mem>>) src(%dma_wait3A_401 : memref<16x128xf32, #tpu.memory_space<hbm>>) dst(%dma_wait3A_397 : memref<16x128xf32, #tpu.memory_space<vmem>>)
        %dma_wait3A_402 = arith.constant 112 : i32
        %dma_wait3A_403 = arith.constant 0 : i32
        %dma_wait3A_404 = tpu.memref_slice %arg9[%dma_wait3A_402, %dma_wait3A_403] : memref<128x128xf32, #tpu.memory_space<vmem>> -> memref<16x128xf32, #tpu.memory_space<vmem>>
        %dma_wait3A_405 = arith.constant 0 : i32
        %dma_wait3A_406 = arith.constant 0 : i32
        %dma_wait3A_407 = tpu.memref_slice %arg6[%add3A_289, %dma_wait3A_405, %dma_wait3A_406] : memref<128x4096x128xf32, #tpu.memory_space<hbm>> -> memref<1x16x128xf32, #tpu.memory_space<hbm>>
        %dma_wait3A_408 = tpu.memref_squeeze %dma_wait3A_407 : memref<1x16x128xf32, #tpu.memory_space<hbm>> -> memref<16x128xf32, #tpu.memory_space<hbm>>
        %dma_wait3A_409 = arith.constant 112 : i32
        %dma_wait3A_410 = arith.constant 0 : i32
        %dma_wait3A_411 = tpu.memref_slice %arg9[%dma_wait3A_409, %dma_wait3A_410] : memref<128x128xf32, #tpu.memory_space<vmem>> -> memref<16x128xf32, #tpu.memory_space<vmem>>
        %dma_wait3A_412 = arith.constant 0 : i32
        %dma_wait3A_413 = arith.constant 0 : i32
        %dma_wait3A_414 = tpu.memref_slice %arg6[%add3A_289, %dma_wait3A_412, %dma_wait3A_413] : memref<128x4096x128xf32, #tpu.memory_space<hbm>> -> memref<1x16x128xf32, #tpu.memory_space<hbm>>
        %dma_wait3A_415 = tpu.memref_squeeze %dma_wait3A_414 : memref<1x16x128xf32, #tpu.memory_space<hbm>> -> memref<16x128xf32, #tpu.memory_space<hbm>>
        tpu.wait_dma2 semaphore(%arg13 : memref<!tpu.dma_semaphore, #tpu.memory_space<semaphore_mem>>) src(%dma_wait3A_415 : memref<16x128xf32, #tpu.memory_space<hbm>>) dst(%dma_wait3A_411 : memref<16x128xf32, #tpu.memory_space<vmem>>)
        %dma_start3A_416 = arith.constant 0 : i32
        %dma_start3A_417 = tpu.memref_slice %arg8[%mul3A_2, %dma_start3A_416] : memref<2048x128xf32, #tpu.memory_space<hbm>> -> memref<128x128xf32, #tpu.memory_space<hbm>>
        %dma_start3A_418 = arith.constant 0 : i32
        %dma_start3A_419 = tpu.memref_slice %arg8[%mul3A_2, %dma_start3A_418] : memref<2048x128xf32, #tpu.memory_space<hbm>> -> memref<128x128xf32, #tpu.memory_space<hbm>>
        tpu.enqueue_dma source(%arg9 : memref<128x128xf32, #tpu.memory_space<vmem>>) target(%dma_start3A_419 : memref<128x128xf32, #tpu.memory_space<hbm>>) target_semaphore(%arg13 : memref<!tpu.dma_semaphore, #tpu.memory_space<semaphore_mem>>)
        %dma_wait3A_420 = arith.constant 0 : i32
        %dma_wait3A_421 = tpu.memref_slice %arg8[%mul3A_2, %dma_wait3A_420] : memref<2048x128xf32, #tpu.memory_space<hbm>> -> memref<128x128xf32, #tpu.memory_space<hbm>>
        %dma_wait3A_422 = arith.constant 0 : i32
        %dma_wait3A_423 = tpu.memref_slice %arg8[%mul3A_2, %dma_wait3A_422] : memref<2048x128xf32, #tpu.memory_space<hbm>> -> memref<128x128xf32, #tpu.memory_space<hbm>>
        tpu.wait_dma2 semaphore(%arg13 : memref<!tpu.dma_semaphore, #tpu.memory_space<semaphore_mem>>) src(%arg9 : memref<128x128xf32, #tpu.memory_space<vmem>>) dst(%dma_wait3A_423 : memref<128x128xf32, #tpu.memory_space<hbm>>)
      } else {
      }
      %dma_wait3A = arith.constant 0 : i32
      %dma_wait3A_167 = tpu.memref_slice %arg4[%mul3A_2, %dma_wait3A] : memref<2048x128xf32, #tpu.memory_space<hbm>> -> memref<128x128xf32, #tpu.memory_space<hbm>>
      %dma_wait3A_168 = arith.constant 0 : i32
      %dma_wait3A_169 = tpu.memref_slice %arg4[%mul3A_2, %dma_wait3A_168] : memref<2048x128xf32, #tpu.memory_space<hbm>> -> memref<128x128xf32, #tpu.memory_space<hbm>>
      tpu.wait_dma2 semaphore(%arg13 : memref<!tpu.dma_semaphore, #tpu.memory_space<semaphore_mem>>) src(%dma_wait3A_169 : memref<128x128xf32, #tpu.memory_space<hbm>>) dst(%arg10 : memref<128x128xf32, #tpu.memory_space<vmem>>)
      %dma_start3A_170 = arith.constant 0 : i32
      %dma_start3A_171 = arith.constant 0 : i32
      %dma_start3A_172 = tpu.memref_slice %arg8[%dma_start3A_170, %dma_start3A_171] : memref<2048x128xf32, #tpu.memory_space<hbm>> -> memref<2048x128xf32, #tpu.memory_space<hbm>>
      tpu.enqueue_indirect_dma source(%arg10 : memref<128x128xf32, #tpu.memory_space<vmem>>) target(%dma_start3A_172 : memref<2048x128xf32, #tpu.memory_space<hbm>>) offsets(%arg12 : memref<128xi32, #tpu.memory_space<vmem>>) semaphore(%arg13 : memref<!tpu.dma_semaphore, #tpu.memory_space<semaphore_mem>>)
      %dma_wait3A_173 = arith.constant 0 : i32
      %dma_wait3A_174 = arith.constant 0 : i32
      %dma_wait3A_175 = tpu.memref_slice %arg8[%dma_wait3A_173, %dma_wait3A_174] : memref<2048x128xf32, #tpu.memory_space<hbm>> -> memref<2048x128xf32, #tpu.memory_space<hbm>>
      tpu.wait_indirect_dma semaphore(%arg13 : memref<!tpu.dma_semaphore, #tpu.memory_space<semaphore_mem>>) src(%arg10 : memref<128x128xf32, #tpu.memory_space<vmem>>) dst(%dma_wait3A_175 : memref<2048x128xf32, #tpu.memory_space<hbm>>)
    } else {
    }
    return
  }
}

</mosaic_0001>

<sc_bundles>
// kernel: kernel.3.cloned.1.call-start
scs
__scs_entry_jumppad:
0x0: {  	(pc) =	sbr.rel $0x88, $3  }
0x1: {  	(tag) =	ssettag $0x0;
	lr =	simm.s32 $0x1  }
0x2: {  	[smem:$0x3F9C] =	sst lr;
	_ =	strace $0xD0000000  }
0x3: {  	_ = 	snop  }
0x4: {  	_ = 	snop  }
0x5: {  	_ = 	snop  }
0x6: {  	_ = 	snop  }
0x7: {  	_ = 	snop  }
__scs_overlays_trampoline_lowered:
0x8: {  	[smem:$0x3FAB] =	sst s0  }
0x9: {  	[smem:$0x3FAC] =	sst s1  }
0xa: {  	[smem:$0x3FAD] =	sst s2  }
0xb: {  	[smem:$0x3FAE] =	sst s3  }
0xc: {  	[smem:$0x3FAF] =	sst s4  }
0xd: {  	[smem:$0x3FB0] =	sst s5  }
0xe: {  	[smem:$0x3FB1] =	sst s6  }
0xf: {  	[smem:$0x3FB2] =	sst s7  }
0x10: {  	[smem:$0x3FB3] =	sst s8  }
0x11: {  	[smem:$0x3FB4] =	sst s9;
	s0 =	simm.s32 @!p0 $0x0  }
0x12: {  	s1 =	sld [smem:$0x3F9A];
	s0 =	simm.s32 @p0 $0x1  }
0x13: {  	[smem:$0x3FB5] =	sst s0;
	s0 =	simm.s32 @!p1 $0x0  }
0x14: {  	s2 =	sld [smem:$0x3F99];
	s0 =	simm.s32 @p1 $0x1  }
0x15: {  	[smem:$0x3FB6] =	sst s0;
	s0 =	simm.s32 @!p2 $0x0  }
0x16: {  	s3 =	sld [smem:$0x3FDB];
	s0 =	simm.s32 @p2 $0x1  }
0x17: {  	s4 =	simm.s32 $0x1BF5;
	[smem:$0x3FB8] =	sst s0  }
0x18: {  	s0 =	sld [smem:$0x3F9B];
	_ =	swait.ge [sflag:s4], $0x0  }
0x19: {  	s7 =	sld [smem:$0x3F9C]  }
0x1a: {  	s8 =	sadd.s32 $0xFFFFE003, lr  }
0x1b: {  	s9 =	sadd.s32 $0xFFFFFEF7, lr;
	s5 =	simm.s32 $0xFFFFFFFF;
	p2 =	slt.u32 s8, $0xFFFFF086  }
0x1c: {  	p1 =	slt.u32 s9, $0xF7A;
	s5 =	simm.s32 @!p2 $0x0  }
0x1d: {  	s5 =	simm.s32 @p1 $0x1;
	p0 =	seq.s32 s7, s2  }
0x1e: {  	s7 =	smul.u32 @!p0 $0xF7A, s2;
	p2 =	seq.s32 @!p0 s5, $0x0  }
0x1f: {  	s9 =	smul.u32 $0xF7A, s1;
	s8 =	simm.s32 @!p0 $0x1BF5;
	p2 =	por !p2, p0  }
0x20: {  	[sflag:s8] =	ssyncset.s32 @!p0 $0xFFFFF086;
	s6 =	sadd.s32 @!p0 s3, s7;
	s7 =	simm.s32 @!p0 $0x108  }
0x21: {  	s3 =	sadd.s32 s3, s9;
	s6 =	sadd.s32 @!p0 $0x88, s6;
	s7 =	simm.s32 @p2 $0x1082  }
0x22: {  	[simem:s7], [sflag:s8] =	dma.local @!p0 [hbm:s6], $0xF7A  }
0x23: {  	s9 =	sor.u32 $0xD0000000, s2;
	s6 =	simm.s32 $0x108;
	_ =	swait.ge @!p0 [sflag:s8], $0x0  }
0x24: {  	s3 =	sadd.s32 $0x88, s3;
	s6 =	simm.s32 @!p1 $0x1082;
	[sflag:s4] =	ssyncset.s32 $0xFFFFF086  }
0x25: {  	[simem:s6], [sflag:s4] =	dma.local [hbm:s3], $0xF7A  }
0x26: {  	[smem:$0x3F9C] =	sst s1;
	(tag) =	ssettag s2;
	_ =	strace s9  }
0x27: {  	s1 =	sld [smem:$0x3FAC]  }
0x28: {  	s2 =	sld [smem:$0x3FAD]  }
0x29: {  	s4 =	sld [smem:$0x3FAF]  }
0x2a: {  	p0 =	seq.s32 s5, $0x0;
	s5 =	sld [smem:$0x3FB0]  }
0x2b: {  	s6 =	sld [smem:$0x3FB1]  }
0x2c: {  	s7 =	sld [smem:$0x3FB2]  }
0x2d: {  	s3 =	simm.s32 $0x108;
	s8 =	sld [smem:$0x3FB3]  }
0x2e: {  	s3 =	simm.s32 @!p0 $0x1082;
	s9 =	sld [smem:$0x3FB4]  }
0x2f: {  	lr =	sadd.s32 s0, s3;
	s0 =	sld [smem:$0x3FAB]  }
0x30: {  	s3 =	sld [smem:$0x3FAE]  }
0x31: {  	[smem:$0x3FB7] =	sst s10  }
0x32: {  	s10 =	sld [smem:$0x3FB5];
	_ =	sdelay $0x3  }
0x33: {  	p0 =	seq.s32 s10, $0x1;
	s10 =	sld [smem:$0x3FB7];
	_ =	sdelay $0x3  }
0x34: {  	[smem:$0x3FB7] =	sst s10  }
0x35: {  	s10 =	sld [smem:$0x3FB6];
	_ =	sdelay $0x3  }
0x36: {  	p1 =	seq.s32 s10, $0x1;
	s10 =	sld [smem:$0x3FB7];
	_ =	sdelay $0x3  }
0x37: {  	[smem:$0x3FB7] =	sst s10  }
0x38: {  	s10 =	sld [smem:$0x3FB8]  }
0x39: {  	_ = 	snop;
	(pc) =	sbr.ind lr, $3  }
0x3a: {  	_ = 	snop  }
0x3b: {  	_ = 	snop  }
0x3c: {  	p2 =	seq.s32 s10, $0x1;
	s10 =	sld [smem:$0x3FB7]  }
0x3d: {  	_ =	shalt  }
0x3e: {  	_ =	shalt  }
0x3f: {  	_ =	shalt  }
0x40: {  	_ =	shalt  }
0x41: {  	_ =	shalt  }
0x42: {  	_ =	shalt  }
0x43: {  	_ =	shalt  }
0x44: {  	_ =	shalt  }
0x45: {  	_ =	shalt  }
0x46: {  	_ =	shalt  }
0x47: {  	_ =	shalt  }
0x48: {  	_ =	shalt  }
0x49: {  	_ =	shalt  }
0x4a: {  	_ =	shalt  }
0x4b: {  	_ =	shalt  }
0x4c: {  	_ =	shalt  }
0x4d: {  	_ =	shalt  }
0x4e: {  	_ =	shalt  }
0x4f: {  	_ =	shalt  }
0x50: {  	_ =	shalt  }
0x51: {  	_ =	shalt  }
0x52: {  	_ =	shalt  }
0x53: {  	_ =	shalt  }
0x54: {  	_ =	shalt  }
0x55: {  	_ =	shalt  }
0x56: {  	_ =	shalt  }
0x57: {  	_ =	shalt  }
0x58: {  	_ =	shalt  }
0x59: {  	_ =	shalt  }
0x5a: {  	_ =	shalt  }
0x5b: {  	_ =	shalt  }
0x5c: {  	_ =	shalt  }
0x5d: {  	_ =	shalt  }
0x5e: {  	_ =	shalt  }
0x5f: {  	_ =	shalt  }
0x60: {  	_ =	shalt  }
0x61: {  	_ =	shalt  }
0x62: {  	_ =	shalt  }
0x63: {  	_ =	shalt  }
0x64: {  	_ =	shalt  }
0x65: {  	_ =	shalt  }
0x66: {  	_ =	shalt  }
0x67: {  	_ =	shalt  }
0x68: {  	_ =	shalt  }
0x69: {  	_ =	shalt  }
0x6a: {  	_ =	shalt  }
0x6b: {  	_ =	shalt  }
0x6c: {  	_ =	shalt  }
0x6d: {  	_ =	shalt  }
0x6e: {  	_ =	shalt  }
0x6f: {  	_ =	shalt  }
0x70: {  	_ =	shalt  }
0x71: {  	_ =	shalt  }
0x72: {  	_ =	shalt  }
0x73: {  	_ =	shalt  }
0x74: {  	_ =	shalt  }
0x75: {  	_ =	shalt  }
0x76: {  	_ =	shalt  }
0x77: {  	_ =	shalt  }
0x78: {  	_ =	shalt  }
0x79: {  	_ =	shalt  }
0x7a: {  	_ =	shalt  }
0x7b: {  	_ =	shalt  }
0x7c: {  	_ =	shalt  }
0x7d: {  	_ =	shalt  }
0x7e: {  	_ =	shalt  }
0x7f: {  	_ =	shalt  }
0x80: {  	_ =	shalt  }
0x81: {  	_ =	shalt  }
0x82: {  	_ =	shalt  }
0x83: {  	_ =	shalt  }
0x84: {  	_ =	shalt  }
0x85: {  	_ =	shalt  }
0x86: {  	_ =	shalt  }
0x87: {  	_ =	shalt  }
.Lfunc_end0:
.L_simem_size_0:
called_computation_lowered:
.L_overlay_start_0:
0x88: {  	s2 =	sld [smem:$0x3FD9]  }
0x89: {  	s3 =	sld [smem:$0x3FFE];
	_ =	sdelay $0x1  }
0x8a: {  	s1 =	srdreg.scid  }
0x8b: {  	s0 =	sand.u32 $0x1, s1  }
0x8c: {  	s15 =	sshll.u32 s0, $0xA;
	s2 =	sadd.s32 s3, s2  }
0x8d: {  	s2 =	sadd.s32 s2, s15  }
0x8e: {  	[smem:$0x3FC3] =	sst s2  }
0x8f: {  	_ = 	snop  }
0x90: {  	s2 =	sld [smem:$0x3FC9]  }
0x91: {  	s16 =	sld [smem:$0x3FC8]  }
0x92: {  	s4 =	sld [smem:$0x3FD0]  }
0x93: {  	s5 =	sld [smem:$0x3FC7]  }
0x94: {  	s6 =	sld [smem:$0x3FC6]  }
0x95: {  	s8 =	simm.s32 $0xA;
	s9 =	simm.s32 $0x10;
	s7 =	sld [smem:$0x3FC5]  }
0x96: {  	[smem:s9], [sflag:s8] =	dma.local [hbm:s4], $0x1  }
0x97: {  	_ =	swait.eq [sflag:s8], $0x1  }
0x98: {  	[sflag:s8] =	ssyncset.done $0x0  }
0x99: {  	s17 =	sld [smem:$0x10];
	[sflag:s8] =	ssyncadd.s32 $0xFFFFFFFF  }
0x9a: {  	s18 =	sld [smem:$0x11];
	(tm) =	ssettm $0x1  }
0x9b: {  	s19 =	sld [smem:$0x3FFB];
	_ =	sdelay $0x3  }
0x9c: {  	_ =	strace s19  }
0x9d: {  	s9 =	sld [smem:$0x3FFC];
	_ =	sdelay $0x3  }
0x9e: {  	_ =	strace s9  }
0x9f: {  	s9 =	sld [smem:$0x3FFD];
	_ =	sdelay $0x3  }
0xa0: {  	_ =	strace s9  }
0xa1: {  	_ =	strace $0x8FFFFFFF  }
0xa2: {  	s20 =	sld [smem:$0x3FDB];
	_ =	sdelay $0x1  }
0xa3: {  	s10 =	simm.s32 $_scs_section_size  }
0xa4: {  	s11 =	simm.s32 $_size__tile_overlayer_lowered;
	s12 =	simm.s32 $_tile_overlayer_lowered  }
0xa5: {  	s23 =	simm.s32 $0x1BFF;
	s22 =	sshll.u32 s12, $0x1;
	s9 =	sadd.s32 s10, s20  }
0xa6: {  	s13 =	simm.s32 $0x0;
	s21 =	sshll.u32 s11, $0x1;
	s11 =	sadd.s32 s22, s9  }
0xa7: {  	[timem:s13], [sflag:s23] =	dma.local [hbm:s11], s21  }
0xa8: {  	_ =	swait.ge [sflag:s23], s21  }
0xa9: {  	s10 =	ssub.s32 $0x0, s21;
	[sflag:s23] =	ssyncset.done $0x0  }
0xaa: {  	[sflag:s23] =	ssyncadd.s32 s10;
	_ =	sdelay $0x1  }
0xab: {  	s24 =	simm.s32 $0x1B8B  }
0xac: {  	_ =	swait.ge [sflag:s24], $0x1  }
0xad: {  	[sflag:s24] =	ssyncset.done $0x0  }
0xae: {  	s25 =	simm.s32 $0x1B8E;
	[sflag:s24] =	ssyncadd.s32 $0xFFFFFFFF  }
0xaf: {  	s26 =	simm.s32 $execute0_lowered;
	[smem:$0x3FD2] =	sst s25  }
0xb0: {  	s10 =	sshll.u32 s26, $0x1;
	_ =	strace $0x80000046;
	[dreg:$0x1] =	wrdreg $0xFFFFFFFF  }
0xb1: {  	s28 =	simm.s32 $_size_execute0_lowered;
	s9 =	sadd.s32 s9, s10;
	[dreg:$0x0] =	wrdreg $0x0  }
0xb2: {  	s10 =	sshll.u32 s28, $0x1;
	[dreg:$0x2] =	wrdreg s9  }
0xb3: {  	[dreg:$0x3] =	wrdreg s10  }
0xb4: {  	[dreg:$0x4] =	wrdreg $0xC0  }
0xb5: {  	_ =	task [dreg:s13], $0x5FFFF  }
0xb6: {  	[dreg:$0x1] =	wrdreg $0xFFFFFFFF  }
0xb7: {  	[dreg:$0x0] =	wrdreg $0x60  }
0xb8: {  	[dreg:$0x2] =	wrdreg s2  }
0xb9: {  	[dreg:$0x3] =	wrdreg s16  }
0xba: {  	[dreg:$0x4] =	wrdreg s5  }
0xbb: {  	[dreg:$0x5] =	wrdreg s6  }
0xbc: {  	[dreg:$0x6] =	wrdreg s7  }
0xbd: {  	[dreg:$0x7] =	wrdreg s17  }
0xbe: {  	[dreg:$0x8] =	wrdreg s18  }
0xbf: {  	[dreg:$0x9] =	wrdreg $0x9  }
0xc0: {  	_ =	task.clear_ibuf [dreg:s13], $0xAFFFF;
	_ =	strace $0x90000046  }
0xc1: {  	s29 =	simm.s32 $0x9;
	_ =	strace $0x80000048  }
0xc2: {  	_ =	swait.ge [sflag:s29], $0x1  }
0xc3: {  	[sflag:s29] =	ssyncadd.s32 $0xFFFFFFFF  }
0xc4: {  	_ =	strace $0x90000048  }
0xc5: {  	_ =	sfence  }
0xc6: {  	s30 =	sld [smem:$0x0];
	_ =	sdelay $0x2  }
0xc7: {  	s31 =	sshll.u32 s1, $0xD;
	s1 =	sshrl.u32 s1, $0x2  }
0xc8: {  	s3 =	sand.u32 $0x4000, s31;
	s1 =	sadd.s32 s1, s30  }
0xc9: {  	s0 =	sor.u32 s3, s0;
	s1 =	sshll.u32 s1, $0x11  }
0xca: {  	s0 =	sor.u32 s1, s0  }
0xcb: {  	s0 =	sadd.s32 $0x8F2B, s0  }
0xcc: {  	[sflag:s0] =	ssyncadd.remote.s32 $0x1  }
0xcd: {  	_ =	sfence.sel $0xFFFF  }
0xce: {  	[dreg:$0x0] =	wrdreg $0xFFFFFFFF;
	(pc) =	sbr.abs _section_cstart, $3  }
0xcf: {  	[dreg:$0x1] =	wrdreg $0xFFFFFFFF  }
0xd0: {  	_ =	task.clear_ibuf [dreg:s13], $0x2FFFF;
	_ =	strace $0x9FFFFFFF  }
0xd1: {  	(tm) =	ssettm $0x7FFFFFFF  }
tec
execute0_lowered:
.L_overlay_start_1:
0x0: {  	(tag) =	ssettag $0x1  }
0x1: {  	s0 =	rddreg [dreg:$0x0]  }
0x2: {  	s3 =	rddreg [dreg:$0x1]  }
0x3: {  	s1 =	rddreg [dreg:$0x2]  }
0x4: {  	s6 =	rddreg [dreg:$0x6];
	s7 =	simm.s32 $0x0  }
0x5: {  	s4 =	srdreg.scid;
	s2 =	stileid.u32;
	s20 =	simm.s32 $0x8000  }
0x6: {  	s21 =	simm.s32 $0x4000;
	s28 =	simm.s32 $0x2800;
	s29 =	simm.s32 $0x3000  }
0x7: {  	s30 =	simm.s32 $0x3800;
	s31 =	simm.s32 $0x1;
	[smem:$0x7FF] =	sst s7  }
0x8: {  	s4 =	sand.u32 $0x1, s4;
	s5 =	sshll.u32 s2, $0x3;
	s9 =	sshll.u32 s2, $0x7  }
0x9: {  	v1 =	vimm.s32 $0xFEDCBA98;
	v5 =	vimm.s32 $0x76543210;
	v10 =	vimm.s32 $0x3210FEDC;
	s17 =	sshllo.u32 s2, $0x3;
	s8 =	ssub.s32 $0x2, s4;
	s11 =	sor.u32 $0x1, s5  }
0xa: {  	v11 =	vimm.s32 $0xBA987654;
	v12 =	vimm.s32 $0x10FEDCBA;
	v13 =	vimm.s32 $0x98765432;
	s12 =	sor.u32 $0x2, s5;
	s13 =	sor.u32 $0x3, s5;
	s15 =	sor.u32 $0x4, s5  }
0xb: {  	v14 =	vimm.s32 $0xFEDCBA9;
	v15 =	vimm.s32 $0x87654321;
	v4 =	vunpack.c.l.s4.s8 v1;
	s16 =	sor.u32 $0x5, s5;
	s5 =	sor.u32 $0x6, s5;
	_ =	strace $0x80000047  }
0xc: {  	v8 =	vunpack.c.l.s4.s8 v5;
	v10 =	vunpack.c.l.s4.s8 v10;
	v0 =	vmov s9;
	s26 =	sshll.u32 s17, $0x4;
	s9 =	sshll.u32 s2, $0x13;
	p0 =	seq.s32 s4, $0x1  }
0xd: {  	v11 =	vunpack.c.l.s4.s8 v11;
	v12 =	vunpack.c.l.s4.s8 v12;
	v13 =	vunpack.c.l.s4.s8 v13;
	s17 =	sshll.u32 s17, $0x10;
	s10 =	sshll.u32 s11, $0x4;
	s22 =	sshll.u32 s12, $0x4  }
0xe: {  	v14 =	vunpack.c.l.s4.s8 v14;
	v15 =	vunpack.c.l.s4.s8 v15;
	s14 =	sshll.u32 s13, $0x4;
	s23 =	sshll.u32 s15, $0x4;
	s24 =	sshll.u32 s16, $0x4;
	v9 =	vunpack.c.0.s8.s32 v4  }
0xf: {  	s25 =	sshll.u32 s5, $0x4;
	s18 =	sshrl.u32 s8, $0x1;
	v7 =	vmov s26;
	v8 =	vunpack.c.0.s8.s32 v8;
	s11 =	sshll.u32 s11, $0x10;
	v10 =	vunpack.c.0.s8.s32 v10  }
0x10: {  	s12 =	sshll.u32 s12, $0x10;
	s13 =	sshll.u32 s13, $0x10;
	v11 =	vunpack.c.0.s8.s32 v11;
	v12 =	vunpack.c.0.s8.s32 v12;
	v13 =	vunpack.c.0.s8.s32 v13;
	s26 =	simm.s32 $0x2000  }
.Ltmp0:
0x11: {  	v14 =	vunpack.c.0.s8.s32 v14;
	v15 =	vunpack.c.0.s8.s32 v15;
	v1 =	vmov s10;
	s19 =	ssub.s32 s8, s18;
	s8 =	sshll.u32 s2, $0xB;
	(pc) =	sbr.rel .LBB2_1-.Ltmp0, $4  }
0x12: {  	v2 =	vmov s22;
	v3 =	vmov s14;
	v4 =	vmov s23;
	s14 =	sshll.u32 s15, $0x10;
	s15 =	sshll.u32 s16, $0x10;
	s16 =	sshll.u32 s5, $0x10  }
0x13: {  	v5 =	vmov s24;
	v6 =	vmov s25;
	s22 =	simm.s32 $0x2;
	s23 =	simm.s32 $0x800;
	s24 =	simm.s32 $0x1000;
	v9 =	vand.u32 $0xF, v9  }
0x14: {  	s25 =	simm.s32 $0x1800;
	s5 =	simm.s32 $0x8080;
	s10 =	sadd.s32 s3, s8;
	v8 =	vcombine.low v9, v8;
	v9 =	vcombine.low v11, v10;
	v10 =	vlaneseq.u32  }
0x15: {  	s18 =	sadd.s32 s1, s8;
	s19 =	smax.u32 s19, $0x1;
	s1 =	simm.s32 $0x80;
	v11 =	vcombine.low v13, v12;
	v12 =	vimm.s32 $0x0;
	v13 =	vcombine.low v15, v14  }
.LBB2_4:
0x16: {  	s2 =	sadd.s32 s3, s9  }
0x17: {  	[tilespmem:s7], [sflag:$0x1] =	stream.linear.gather [hbm4b:s2+s7], $0x800, $0x38;
	[tilespmem:$0x8100] =	vst v63  }
0x18: {  	s2 =	sadd.s32 s3, s11  }
0x19: {  	[tilespmem:s23], [sflag:$0x1] =	stream.linear.gather [hbm4b:s2+s7], $0x800, $0x38;
	[tilespmem:$0x8100] =	vst v63  }
0x1a: {  	s2 =	sadd.s32 s3, s12  }
0x1b: {  	[tilespmem:s24], [sflag:$0x1] =	stream.linear.gather [hbm4b:s2+s7], $0x800, $0x38;
	[tilespmem:$0x8100] =	vst v63  }
0x1c: {  	s2 =	sadd.s32 s3, s13  }
0x1d: {  	[tilespmem:s25], [sflag:$0x1] =	stream.linear.gather [hbm4b:s2+s7], $0x800, $0x38;
	[tilespmem:$0x8100] =	vst v63  }
0x1e: {  	s2 =	sadd.s32 s3, s14  }
0x1f: {  	[tilespmem:s26], [sflag:$0x1] =	stream.linear.gather [hbm4b:s2+s7], $0x800, $0x38;
	[tilespmem:$0x8100] =	vst v63  }
0x20: {  	s2 =	sadd.s32 s3, s15  }
0x21: {  	[tilespmem:s28], [sflag:$0x1] =	stream.linear.gather [hbm4b:s2+s7], $0x800, $0x38;
	[tilespmem:$0x8100] =	vst v63  }
0x22: {  	s2 =	sadd.s32 s3, s16  }
0x23: {  	[tilespmem:s29], [sflag:$0x1] =	stream.linear.gather [hbm4b:s2+s7], $0x800, $0x38;
	[tilespmem:$0x8100] =	vst v63  }
0x24: {  	s3 =	sadd.s32 s3, s17  }
0x25: {  	[tilespmem:s30], [sflag:$0x1] =	stream.linear.gather [hbm4b:s3+s7], $0x800, $0x38;
	[tilespmem:$0x8100] =	vst v63  }
0x26: {  	_ =	swait.ge [sflag:s31], $0x800  }
0x27: {  	[sflag:s31] =	ssyncset.done $0x0  }
0x28: {  	[sflag:s31] =	ssyncadd.s32 $0xFFFFF800  }
0x29: {  	_ =	swait.ge [sflag:s31], $0x800  }
0x2a: {  	[sflag:s31] =	ssyncset.done $0x0  }
0x2b: {  	[sflag:s31] =	ssyncadd.s32 $0xFFFFF800  }
0x2c: {  	_ =	swait.ge [sflag:s31], $0x800  }
0x2d: {  	[sflag:s31] =	ssyncset.done $0x0  }
0x2e: {  	[sflag:s31] =	ssyncadd.s32 $0xFFFFF800  }
0x2f: {  	_ =	swait.ge [sflag:s31], $0x800  }
0x30: {  	[sflag:s31] =	ssyncset.done $0x0  }
0x31: {  	[sflag:s31] =	ssyncadd.s32 $0xFFFFF800  }
0x32: {  	_ =	swait.ge [sflag:s31], $0x800  }
0x33: {  	[sflag:s31] =	ssyncset.done $0x0  }
0x34: {  	[sflag:s31] =	ssyncadd.s32 $0xFFFFF800  }
0x35: {  	_ =	swait.ge [sflag:s31], $0x800  }
0x36: {  	[sflag:s31] =	ssyncset.done $0x0  }
0x37: {  	[sflag:s31] =	ssyncadd.s32 $0xFFFFF800  }
0x38: {  	_ =	swait.ge [sflag:s31], $0x800  }
0x39: {  	[sflag:s31] =	ssyncset.done $0x0  }
0x3a: {  	[sflag:s31] =	ssyncadd.s32 $0xFFFFF800  }
0x3b: {  	_ =	swait.ge [sflag:s31], $0x800  }
0x3c: {  	[sflag:s31] =	ssyncset.done $0x0  }
0x3d: {  	s3 =	sadd.s32 s4, s8;
	[sflag:s31] =	ssyncadd.s32 $0xFFFFF800  }
0x3e: {  	[hbm4b:s3+s7] =	stream.linear.scatter [tilespmem:s7], [sflag:$0x1], $0x4000, $0x38;
	[tilespmem:$0x8100] =	vst v63  }
0x3f: {  	_ =	swait.ge [sflag:s31], $0x4000  }
0x40: {  	[sflag:s31] =	ssyncset.done $0x0  }
0x41: {  	[sflag:s31] =	ssyncadd.s32 $0xFFFFC000  }
.LBB2_5:
0x42: {  	_ =	swait.ge [sflag:s31], $0x4000;
	s19 =	sadd.s32 $0xFFFFFFFF, s19  }
0x43: {  	[sflag:s31] =	ssyncset.done $0x0;
	p1 =	sne.s32 s19, $0x0  }
.Ltmp1:
0x44: {  	[sflag:s31] =	ssyncadd.s32 $0xFFFFC000;
	(pc) =	sbr.rel @!p1 .LBB2_6-.Ltmp1, $4  }
0x45: {  	[hbm4b:s4+s1] =	stream.indirect.scatter [tilespmem:s21], [sflag:$0x1], $0x80, s5, s1, $0xb8;
	[tilespmem:$0x8100] =	vst v63  }
0x46: {  	_ =	swait.ge [sflag:s31], $0x4000  }
0x47: {  	[sflag:s31] =	ssyncset.done $0x0  }
0x48: {  	[sflag:s31] =	ssyncadd.s32 $0xFFFFC000  }
.LBB2_1:
.Ltmp2:
0x49: {  	(pc) =	sbr.rel @!p0 .LBB2_2-.Ltmp2, $2  }
0x4a: {  	_ =	sdelay $0x2  }
0x4b: {  	[tilespmem:s20], [sflag:$0x2] =	stream.linear.gather [hbm4b:s0+s7], $0x80, $0x38;
	[tilespmem:$0x8100] =	vst v63  }
0x4c: {  	[tilespmem:s21], [sflag:$0x1] =	stream.linear.gather [hbm4b:s18+s7], $0x4000, $0x38;
	[tilespmem:$0x8100] =	vst v63  }
0x4d: {  	_ =	swait.ge [sflag:s22], $0x80  }
0x4e: {  	[sflag:s22] =	ssyncset.done $0x0  }
0x4f: {  	[sflag:s22] =	ssyncadd.s32 $0xFFFFFF80  }
0x50: {  	v14 =	vld [tilespmem:$0x8000];
	_ =	sdelay $0x4  }
0x51: {  	vm0 =	veq.s32 v14, v10  }
0x52: {  	v15 =	vsel vm0, $0x1, v12  }
0x53: {  	v16 =	vperm.xlane v15, v8;
	_ =	sdelay $0x1  }
0x54: {  	v15 =	vand.u32 v15, v16  }
0x55: {  	v16 =	vperm.xlane v15, v9;
	_ =	sdelay $0x1  }
0x56: {  	v15 =	vand.u32 v16, v15  }
0x57: {  	v16 =	vperm.xlane v15, v11;
	_ =	sdelay $0x1  }
0x58: {  	v15 =	vand.u32 v16, v15  }
0x59: {  	v16 =	vperm.xlane v15, v13;
	_ =	sdelay $0x1  }
0x5a: {  	v15 =	vand.u32 v16, v15  }
0x5b: {  	(v2sf) =	vpush v15, $0x0;
	_ =	sdelay $0xc  }
0x5c: {  	v15 =	vadd.s32 v0, v14  }
0x5d: {  	[tilespmem:$0x8080] =	vst v15;
	v15 =	vadd.s32 v1, v14  }
0x5e: {  	[tilespmem:$0x8090] =	vst v15;
	v15 =	vadd.s32 v2, v14;
	s3 =	spop (v2sf)  }
0x5f: {  	[tilespmem:$0x80A0] =	vst v15;
	v15 =	vadd.s32 v3, v14;
	p1 =	sne.s32 s3, $0x0  }
.Ltmp3:
0x60: {  	[tilespmem:$0x80B0] =	vst v15;
	v15 =	vadd.s32 v4, v14;
	(pc) =	sbr.rel @p1 .LBB2_5-.Ltmp3, $4  }
.Ltmp4:
0x61: {  	[tilespmem:$0x80C0] =	vst v15;
	v15 =	vadd.s32 v5, v14;
	(pc) =	sbr.rel @!p1 .LBB2_4-.Ltmp4, $4  }
0x62: {  	[tilespmem:$0x80D0] =	vst v15;
	v15 =	vadd.s32 v6, v14  }
0x63: {  	v14 =	vadd.s32 v7, v14;
	[tilespmem:$0x80E0] =	vst v15  }
0x64: {  	s4 =	smov.u32 s6;
	[tilespmem:$0x80F0] =	vst v14;
	s3 =	rddreg [dreg:$0x4]  }
0x65: {  	_ = 	snop  }
.LBB2_2:
0x66: {  	[tilespmem:s21], [sflag:$0x1] =	stream.linear.gather [hbm4b:s10+s7], $0x4000, $0x38;
	[tilespmem:$0x8100] =	vst v63  }
0x67: {  	_ =	swait.ge [sflag:s22], $0x80  }
0x68: {  	[sflag:s22] =	ssyncset.done $0x0  }
0x69: {  	[sflag:s22] =	ssyncadd.s32 $0xFFFFFF80  }
0x6a: {  	v14 =	vld [tilespmem:$0x8000];
	_ =	sdelay $0x4  }
0x6b: {  	vm0 =	veq.s32 v14, v10  }
0x6c: {  	v15 =	vsel vm0, $0x1, v12  }
0x6d: {  	v16 =	vperm.xlane v15, v8;
	_ =	sdelay $0x1  }
0x6e: {  	v15 =	vand.u32 v15, v16  }
0x6f: {  	v16 =	vperm.xlane v15, v9;
	_ =	sdelay $0x1  }
0x70: {  	v15 =	vand.u32 v16, v15  }
0x71: {  	v16 =	vperm.xlane v15, v11;
	_ =	sdelay $0x1  }
0x72: {  	v15 =	vand.u32 v16, v15  }
0x73: {  	v16 =	vperm.xlane v15, v13;
	_ =	sdelay $0x1  }
0x74: {  	v15 =	vand.u32 v16, v15  }
0x75: {  	(v2sf) =	vpush v15, $0x0;
	_ =	sdelay $0xc  }
0x76: {  	v15 =	vadd.s32 v0, v14  }
0x77: {  	[tilespmem:$0x8080] =	vst v15;
	v15 =	vadd.s32 v1, v14  }
0x78: {  	[tilespmem:$0x8090] =	vst v15;
	v15 =	vadd.s32 v2, v14;
	s3 =	spop (v2sf)  }
0x79: {  	[tilespmem:$0x80A0] =	vst v15;
	v15 =	vadd.s32 v3, v14;
	p1 =	seq.s32 s3, $0x0  }
.Ltmp5:
0x7a: {  	[tilespmem:$0x80B0] =	vst v15;
	v15 =	vadd.s32 v4, v14;
	(pc) =	sbr.rel @!p1 .LBB2_5-.Ltmp5, $4  }
.Ltmp6:
0x7b: {  	[tilespmem:$0x80C0] =	vst v15;
	v15 =	vadd.s32 v5, v14;
	(pc) =	sbr.rel @p1 .LBB2_4-.Ltmp6, $4  }
0x7c: {  	[tilespmem:$0x80D0] =	vst v15;
	v15 =	vadd.s32 v6, v14  }
0x7d: {  	s4 =	rddreg [dreg:$0x5];
	v14 =	vadd.s32 v7, v14;
	[tilespmem:$0x80E0] =	vst v15  }
0x7e: {  	[tilespmem:$0x80F0] =	vst v14;
	s3 =	rddreg [dreg:$0x3]  }
0x7f: {  	_ = 	snop  }
.LBB2_6:
0x80: {  	_ =	sfence.sel $0x180000  }
0x81: {  	[bflag:$0x0] =	sbarrier.arrive $0xFFFF  }
0x82: {  	_ =	strace $0x90000047  }
0x83: {  	s0 =	stileid.u32;
	[bflag:$0x2] =	sbarrier.arrive $0xFFFF  }
0x84: {  	p0 =	sne.s32 s0, $0x0;
	s0 =	rddreg [dreg:$0x7]  }
0x85: {  	s0 =	sadd.s32 @!p0 $0x100000, s0  }
0x86: {  	[sflag:s0] =	ssyncadd.tile.s32 @!p0 $0x1;
	_ =	shalt  }
.Lfunc_end2:
_tile_overlayer_lowered:
.L_overlay_start_2:
0x87: {  	(tag) =	ssettag $0x2  }
0x88: {  	s0 =	rddreg [dreg:$0x0];
	s2 =	stileid.u32  }
0x89: {  	s1 =	rddreg [dreg:$0x1];
	p0 =	sne.s32 s2, $0x0  }
0x8a: {  	s3 =	rddreg [dreg:$0x2];
	[bflag:$0x3] =	sbarrier.arrive $0xFFFF;
	s2 =	simm.s32 @!p0 $0x1C03  }
0x8b: {  	[timem:s3], [sflag:s2] =	dma.local @!p0 [hbm:s0], s1  }
0x8c: {  	s0 =	simm.s32 @!p0 $0x3  }
0x8d: {  	_ =	swait.ge @!p0 [sflag:s0], s1  }
0x8e: {  	s1 =	ssub.s32 @!p0 $0x0, s1;
	[sflag:s0] =	ssyncset.done @!p0 $0x0  }
0x8f: {  	[sflag:s0] =	ssyncadd.s32 @!p0 s1  }
0x90: {  	[bflag:$0x3] =	sbarrier.arrive $0xFFFF  }
0x91: {  	_ =	shalt  }

</sc_bundles>
